<compile_context>
chip_gen: v7x
topology: tpu7x:2x2x1
jax: 0.10.2.dev20260603
libtpu: 0.0.44.dev20260713+nightly
codegen_flags: <defaults>
</compile_context>

<pallas_src>
import dataclasses
import functools

import jax
import jax.numpy as jnp
from jax import lax
from jax.experimental import pallas as pl
from jax.experimental.pallas import tpu as pltpu
from jax.experimental.pallas import tpu_sc as plsc

N = 10000
IN_CH = 128
HID = 128
N_CLASSES = 7
E = 320000

NC = 2
NS = 16
NW = NC * NS
CHUNK = 128
CH = 79
E_PAD = NW * CH * CHUNK
ROWS_PER_SUB = 640
N_ACC = NS * ROWS_PER_SUB
C_PAD = 16

_mesh = plsc.VectorSubcoreMesh(core_axis_name="c", subcore_axis_name="s")

_sc_params = pltpu.CompilerParams()
if "needs_layout_passes" in pltpu.CompilerParams.__dataclass_fields__:
    _sc_params = dataclasses.replace(_sc_params, needs_layout_passes=False)


def _sc_agg(h, src3, dst3):

    @functools.partial(
        pl.kernel,
        mesh=_mesh,
        out_type=jax.ShapeDtypeStruct((NC, N_ACC, HID), jnp.float32),
        scratch_types=[
            pltpu.VMEM((CH, CHUNK), jnp.int32),
            pltpu.VMEM((CH, CHUNK), jnp.int32),
            pltpu.VMEM((CHUNK, HID), jnp.float32),
            pltpu.VMEM_SHARED((N_ACC, HID), jnp.float32),
        ],
    )
    def body(h_hbm, src_hbm, dst_hbm, out_hbm, src_v, dst_v, rows_v, acc_sh):
        c = lax.axis_index("c")
        s = lax.axis_index("s")
        @pl.loop(0, CHUNK)
        def _(i):
            @pl.loop(0, HID, step=16)
            def _(k):
                rows_v[i, pl.ds(k, 16)] = jnp.zeros((16,), jnp.float32)

        @pl.loop(0, ROWS_PER_SUB // CHUNK)
        def _(i):
            pltpu.sync_copy(
                rows_v, acc_sh.at[pl.ds(s * ROWS_PER_SUB + i * CHUNK, CHUNK)]
            )

        wid = s * NC + c
        pltpu.sync_copy(src_hbm.at[wid], src_v)
        pltpu.sync_copy(dst_hbm.at[wid], dst_v)
        plsc.subcore_barrier()

        @pl.loop(0, CH)
        def _(j):
            pltpu.sync_copy(h_hbm.at[src_v.at[j]], rows_v)
            pltpu.sync_copy(rows_v, acc_sh.at[dst_v.at[j]], add=True)

        plsc.subcore_barrier()
        pltpu.sync_copy(
            acc_sh.at[pl.ds(s * ROWS_PER_SUB, ROWS_PER_SUB)],
            out_hbm.at[c].at[pl.ds(s * ROWS_PER_SUB, ROWS_PER_SUB)],
        )

    return body(h, src3, dst3)


def _sc_deg(dst3):

    @functools.partial(
        pl.kernel,
        mesh=_mesh,
        out_type=jax.ShapeDtypeStruct((NW, N_ACC), jnp.float32),
        compiler_params=_sc_params,
        scratch_types=[
            pltpu.VMEM((CH, CHUNK), jnp.int32),
            pltpu.VMEM((N_ACC,), jnp.float32),
        ],
    )
    def body(dst_hbm, out_hbm, dst_v, hist_v):
        c = lax.axis_index("c")
        s = lax.axis_index("s")
        wid = s * NC + c

        @pl.loop(0, N_ACC, step=16)
        def _(k):
            hist_v[pl.ds(k, 16)] = jnp.zeros((16,), jnp.float32)

        ones = jnp.ones((16,), jnp.float32)
        pltpu.sync_copy(dst_hbm.at[wid], dst_v)

        @pl.loop(0, CH)
        def _(j):
            @pl.loop(0, CHUNK, step=16)
            def _(k):
                idx = dst_v[j, pl.ds(k, 16)]
                plsc.addupdate_scatter(hist_v, [idx], ones)

        pltpu.sync_copy(hist_v, out_hbm.at[wid])

    return body(dst3)


_R_BLK = 2000
_GRID = N // _R_BLK


def _mm1_body(x_ref, w_ref, o_ref):
    o_ref[...] = jnp.dot(
        x_ref[...], w_ref[...], preferred_element_type=jnp.float32
    )


def _scale1_body(h_ref, deg_ref, hp_ref, dinv_ref):
    deg = jnp.sum(deg_ref[...], axis=1)[:, None] + 1.0
    dinv = lax.rsqrt(deg)
    dinv_ref[...] = dinv
    hp_ref[...] = h_ref[...] * dinv


def _combine1_body(p0_ref, p1_ref, hp_ref, dinv_ref, b1_ref, o_ref):
    dinv = dinv_ref[...]
    t = (p0_ref[...] + p1_ref[...] + hp_ref[...]) * dinv + b1_ref[...]
    o_ref[...] = jnp.maximum(t, 0.0) * dinv


def _final_body(q0_ref, q1_ref, u_ref, dinv_ref, w2_ref, b2_ref, o_ref):
    t = (q0_ref[...] + q1_ref[...] + u_ref[...]) * dinv_ref[...]
    logits = (
        jnp.dot(t, w2_ref[...], preferred_element_type=jnp.float32)
        + b2_ref[...]
    )
    col = lax.broadcasted_iota(jnp.int32, logits.shape, 1)
    logits = jnp.where(col < N_CLASSES, logits, -jnp.inf)
    m = jnp.max(logits, axis=1, keepdims=True)
    lse = jnp.log(jnp.sum(jnp.exp(logits - m), axis=1, keepdims=True)) + m
    o_ref[...] = logits - lse


def _row_spec(width):
    return pl.BlockSpec((_R_BLK, width), lambda i: (i, 0))


def _full_spec(shape):
    return pl.BlockSpec(shape, lambda i: (0, 0))


def kernel(x, edge_index, W1, b1, W2, b2):
    ei = edge_index.astype(jnp.int32)
    src = ei[0]
    dst = ei[1]
    pad = E_PAD - E
    srcp = jnp.concatenate([src, jnp.zeros((pad,), jnp.int32)])
    pad_dst = N + (jnp.arange(pad, dtype=jnp.int32) % 128)
    dstp = jnp.concatenate([dst, pad_dst])
    src3 = srcp.reshape(NW, CH, CHUNK)
    dst3 = dstp.reshape(NW, CH, CHUNK)

    W2p = jnp.zeros((HID, C_PAD), jnp.float32).at[:, :N_CLASSES].set(W2)
    b1r = b1.reshape(1, HID)
    b2r = jnp.zeros((1, C_PAD), jnp.float32).at[0, :N_CLASSES].set(b2)

    degs = _sc_deg(dst3)[:, :N].T

    h1 = pl.pallas_call(
        _mm1_body,
        grid=(_GRID,),
        in_specs=[_row_spec(IN_CH), _full_spec((IN_CH, HID))],
        out_specs=_row_spec(HID),
        out_shape=jax.ShapeDtypeStruct((N, HID), jnp.float32),
    )(x, W1)

    h1p, dinv = pl.pallas_call(
        _scale1_body,
        grid=(_GRID,),
        in_specs=[_row_spec(HID), pl.BlockSpec((_R_BLK, NW), lambda i: (i, 0))],
        out_specs=[_row_spec(HID), _row_spec(1)],
        out_shape=[
            jax.ShapeDtypeStruct((N, HID), jnp.float32),
            jax.ShapeDtypeStruct((N, 1), jnp.float32),
        ],
    )(h1, degs)

    part1 = _sc_agg(h1p, src3, dst3)

    u = pl.pallas_call(
        _combine1_body,
        grid=(_GRID,),
        in_specs=[
            _row_spec(HID),
            _row_spec(HID),
            _row_spec(HID),
            _row_spec(1),
            _full_spec((1, HID)),
        ],
        out_specs=_row_spec(HID),
        out_shape=jax.ShapeDtypeStruct((N, HID), jnp.float32),
    )(part1[0, :N], part1[1, :N], h1p, dinv, b1r)

    part2 = _sc_agg(u, src3, dst3)

    outp = pl.pallas_call(
        _final_body,
        grid=(_GRID,),
        in_specs=[
            _row_spec(HID),
            _row_spec(HID),
            _row_spec(HID),
            _row_spec(1),
            _full_spec((HID, C_PAD)),
            _full_spec((1, C_PAD)),
        ],
        out_specs=_row_spec(C_PAD),
        out_shape=jax.ShapeDtypeStruct((N, C_PAD), jnp.float32),
    )(part2[0, :N], part2[1, :N], u, dinv, W2p, b2r)

    return outp[:, :N_CLASSES]

# --- scband reference (transcript-rebuilt; emitter-appended) ---
"""Pipeline reference for scband-gcn-32134945309237 (READ-ONLY COPY).

The authoritative reference and input builder live on the scoring server;
editing this copy changes nothing except your own understanding.
"""

import jax, jax.numpy as jnp
import numpy as np

N_NODES = 10000
IN_CH = 128
HID = 128
N_CLASSES = 7
N_EDGES = 320000


def gcn_conv(x, src, dst, W, b, num_nodes):
    # add self loops
    loop = jnp.arange(num_nodes, dtype=src.dtype)
    s = jnp.concatenate([src, loop])
    d = jnp.concatenate([dst, loop])
    # symmetric normalization D^{-1/2} (A+I) D^{-1/2}
    deg = jnp.zeros((num_nodes,), dtype=x.dtype).at[d].add(1.0)
    dinv = jnp.where(deg > 0, deg ** -0.5, 0.0)
    norm = dinv[s] * dinv[d]
    h = x @ W
    msg = h[s] * norm[:, None]
    out = jnp.zeros((num_nodes, W.shape[1]), dtype=x.dtype).at[d].add(msg)
    return out + b


def setup_inputs(seed: int = 0) -> dict:
    key = jax.random.key(seed)
    k1, k2, k3, k4, k5 = jax.random.split(key, 5)
    x = jax.random.normal(k1, (N_NODES, IN_CH), dtype=jnp.float32)
    edge_index = jax.random.randint(k2, (2, N_EDGES), 0, N_NODES, dtype=jnp.int64)
    # glorot-style init for GCNConv weights
    W1 = jax.random.normal(k3, (IN_CH, HID), dtype=jnp.float32) * (1.0 / np.sqrt(IN_CH))
    b1 = jnp.zeros((HID,), dtype=jnp.float32)
    W2 = jax.random.normal(k4, (HID, N_CLASSES), dtype=jnp.float32) * (1.0 / np.sqrt(HID))
    b2 = jnp.zeros((N_CLASSES,), dtype=jnp.float32)
    return {"x": x, "edge_index": edge_index, "W1": W1, "b1": b1, "W2": W2, "b2": b2}


def reference(x, edge_index, W1, b1, W2, b2):
    src = edge_index[0]
    dst = edge_index[1]
    h = gcn_conv(x, src, dst, W1, b1, N_NODES)
    h = jax.nn.relu(h)
    # dropout p=0.5 is identity in eval mode (training=False)
    h = gcn_conv(h, src, dst, W2, b2, N_NODES)
    return jax.nn.log_softmax(h, axis=1)

if __name__ == "__main__":
    import jax
    _d = setup_inputs()
    print(jax.jit(kernel)(*tuple(_d.values())))

</pallas_src>

<mosaic_0001>
#map = affine_map<(d0, d1) -> (0, 0, 0)>
#map1 = affine_map<(d0, d1) -> (0, 0)>
module attributes {stable_mosaic.version = 14 : i64} {
  func.func @body(%arg0: i32, %arg1: i32, %arg2: memref<32x79x128xi32, #tpu.memory_space<hbm>>, %arg3: memref<32x10240xf32, #tpu.memory_space<hbm>>, %arg4: memref<79x128xi32, #tpu.memory_space<vmem>>, %arg5: memref<10240xf32, #tpu.memory_space<vmem>>) attributes {dimension_semantics = [#tpu.dimension_semantics<core_parallel>, #tpu.dimension_semantics<subcore_parallel>], iteration_bounds = array<i64: 2, 16>, scalar_prefetch = 0 : i64, scratch_operands = 2 : i64, tpu.core_type = #tpu.core_type<sc_vector_subcore>, window_params = [{transform_indices = #map}, {transform_indices = #map1}]} {
    %mul3A = arith.constant 2 : i32
    %mul3A_0 = arith.muli %arg1, %mul3A : i32
    %add3A = arith.addi %mul3A_0, %arg0 : i32
    %scan3A = arith.constant 0 : i32
    %scan3A_1 = arith.constant 640 : i32
    %scan3A_2 = arith.addi %scan3A, %scan3A_1 : i32
    %scan3A_3 = arith.constant 1 : i32
    scf.for %scan3A_11 = %scan3A to %scan3A_2 step %scan3A_3  : i32 {
      %mul3A_12 = arith.constant 16 : i32
      %mul3A_13 = arith.muli %scan3A_11, %mul3A_12 : i32
      %add3A_14 = arith.constant 0 : i32
      %add3A_15 = arith.addi %add3A_14, %mul3A_13 : i32
      %broadcast_in_dim3A_16 = arith.constant 0.000000e+00 : f32
      %broadcast_in_dim3A_17 = vector.broadcast %broadcast_in_dim3A_16 : f32 to vector<16xf32>
      %swap3A = arith.index_cast %add3A_15 : i32 to index
      %swap3A_18 = tpu.vector_load %arg5[%swap3A] {strides = array<i32>} : memref<10240xf32, #tpu.memory_space<vmem>>, vector<16xf32>,
      tpu.vector_store %arg5[%swap3A], %broadcast_in_dim3A_17 {strides = array<i32>} : memref<10240xf32, #tpu.memory_space<vmem>>, vector<16xf32>,
    }
    %scan3A_4 = arith.constant 640 : i32
    %broadcast_in_dim3A = arith.constant 1.000000e+00 : f32
    %broadcast_in_dim3A_5 = vector.broadcast %broadcast_in_dim3A : f32 to vector<16xf32>
    "tpu.region"() ({
      %run_scoped3A = tpu.sem_alloc : memref<!tpu.dma_semaphore, #tpu.memory_space<semaphore_mem>>
      %dma_start3A = arith.constant 0 : i32
      %dma_start3A_11 = arith.constant 0 : i32
      %dma_start3A_12 = tpu.memref_slice %arg2[%add3A, %dma_start3A, %dma_start3A_11] : memref<32x79x128xi32, #tpu.memory_space<hbm>> -> memref<1x79x128xi32, #tpu.memory_space<hbm>>
      %dma_start3A_13 = tpu.memref_squeeze %dma_start3A_12 : memref<1x79x128xi32, #tpu.memory_space<hbm>> -> memref<79x128xi32, #tpu.memory_space<hbm>>
      %dma_start3A_14 = arith.constant 0 : i32
      %dma_start3A_15 = arith.constant 0 : i32
      %dma_start3A_16 = tpu.memref_slice %arg2[%add3A, %dma_start3A_14, %dma_start3A_15] : memref<32x79x128xi32, #tpu.memory_space<hbm>> -> memref<1x79x128xi32, #tpu.memory_space<hbm>>
      %dma_start3A_17 = tpu.memref_squeeze %dma_start3A_16 : memref<1x79x128xi32, #tpu.memory_space<hbm>> -> memref<79x128xi32, #tpu.memory_space<hbm>>
      tpu.enqueue_dma source(%dma_start3A_17 : memref<79x128xi32, #tpu.memory_space<hbm>>) target(%arg4 : memref<79x128xi32, #tpu.memory_space<vmem>>) target_semaphore(%run_scoped3A : memref<!tpu.dma_semaphore, #tpu.memory_space<semaphore_mem>>)
      %dma_wait3A = arith.constant 0 : i32
      %dma_wait3A_18 = arith.constant 0 : i32
      %dma_wait3A_19 = tpu.memref_slice %arg2[%add3A, %dma_wait3A, %dma_wait3A_18] : memref<32x79x128xi32, #tpu.memory_space<hbm>> -> memref<1x79x128xi32, #tpu.memory_space<hbm>>
      %dma_wait3A_20 = tpu.memref_squeeze %dma_wait3A_19 : memref<1x79x128xi32, #tpu.memory_space<hbm>> -> memref<79x128xi32, #tpu.memory_space<hbm>>
      %dma_wait3A_21 = arith.constant 0 : i32
      %dma_wait3A_22 = arith.constant 0 : i32
      %dma_wait3A_23 = tpu.memref_slice %arg2[%add3A, %dma_wait3A_21, %dma_wait3A_22] : memref<32x79x128xi32, #tpu.memory_space<hbm>> -> memref<1x79x128xi32, #tpu.memory_space<hbm>>
      %dma_wait3A_24 = tpu.memref_squeeze %dma_wait3A_23 : memref<1x79x128xi32, #tpu.memory_space<hbm>> -> memref<79x128xi32, #tpu.memory_space<hbm>>
      tpu.wait_dma2 semaphore(%run_scoped3A : memref<!tpu.dma_semaphore, #tpu.memory_space<semaphore_mem>>) src(%dma_wait3A_24 : memref<79x128xi32, #tpu.memory_space<hbm>>) dst(%arg4 : memref<79x128xi32, #tpu.memory_space<vmem>>)
      tpu.yield
    }) : () -> ()
    %scan3A_6 = arith.constant 0 : i32
    %scan3A_7 = arith.constant 79 : i32
    %scan3A_8 = arith.addi %scan3A_6, %scan3A_7 : i32
    %scan3A_9 = arith.constant 1 : i32
    scf.for %scan3A_11 = %scan3A_6 to %scan3A_8 step %scan3A_9  : i32 {
      %mul3A_12 = arith.constant 1 : i32
      %mul3A_13 = arith.muli %scan3A_11, %mul3A_12 : i32
      %add3A_14 = arith.constant 0 : i32
      %add3A_15 = arith.addi %add3A_14, %mul3A_13 : i32
      %scan3A_16 = arith.constant 0 : i32
      %scan3A_17 = arith.constant 8 : i32
      %scan3A_18 = arith.addi %scan3A_16, %scan3A_17 : i32
      %scan3A_19 = arith.constant 1 : i32
      scf.for %scan3A_21 = %scan3A_16 to %scan3A_18 step %scan3A_19  : i32 {
        %mul3A_22 = arith.constant 16 : i32
        %mul3A_23 = arith.muli %scan3A_21, %mul3A_22 : i32
        %add3A_24 = arith.constant 0 : i32
        %add3A_25 = arith.addi %add3A_24, %mul3A_23 : i32
        %get3A = arith.index_cast %add3A_15 : i32 to index
        %get3A_26 = arith.index_cast %add3A_25 : i32 to index
        %get3A_27 = tpu.vector_load %arg4[%get3A, %get3A_26] {strides = array<i32>} : memref<79x128xi32, #tpu.memory_space<vmem>>, vector<16xi32>,
        tpu.vector_store_idx %arg5[%get3A_27], %broadcast_in_dim3A_5 {add = true} : memref<10240xf32, #tpu.memory_space<vmem>>[vector<16xi32>], vector<16xf32>,
      }
      %scan3A_20 = arith.constant 8 : i32
    }
    %scan3A_10 = arith.constant 79 : i32
    "tpu.region"() ({
      %run_scoped3A = tpu.sem_alloc : memref<!tpu.dma_semaphore, #tpu.memory_space<semaphore_mem>>
      %dma_start3A = arith.constant 0 : i32
      %dma_start3A_11 = tpu.memref_slice %arg3[%add3A, %dma_start3A] : memref<32x10240xf32, #tpu.memory_space<hbm>> -> memref<1x10240xf32, #tpu.memory_space<hbm>>
      %dma_start3A_12 = tpu.memref_squeeze %dma_start3A_11 : memref<1x10240xf32, #tpu.memory_space<hbm>> -> memref<10240xf32, #tpu.memory_space<hbm>>
      %dma_start3A_13 = arith.constant 0 : i32
      %dma_start3A_14 = tpu.memref_slice %arg3[%add3A, %dma_start3A_13] : memref<32x10240xf32, #tpu.memory_space<hbm>> -> memref<1x10240xf32, #tpu.memory_space<hbm>>
      %dma_start3A_15 = tpu.memref_squeeze %dma_start3A_14 : memref<1x10240xf32, #tpu.memory_space<hbm>> -> memref<10240xf32, #tpu.memory_space<hbm>>
      tpu.enqueue_dma source(%arg5 : memref<10240xf32, #tpu.memory_space<vmem>>) target(%dma_start3A_15 : memref<10240xf32, #tpu.memory_space<hbm>>) target_semaphore(%run_scoped3A : memref<!tpu.dma_semaphore, #tpu.memory_space<semaphore_mem>>)
      %dma_wait3A = arith.constant 0 : i32
      %dma_wait3A_16 = tpu.memref_slice %arg3[%add3A, %dma_wait3A] : memref<32x10240xf32, #tpu.memory_space<hbm>> -> memref<1x10240xf32, #tpu.memory_space<hbm>>
      %dma_wait3A_17 = tpu.memref_squeeze %dma_wait3A_16 : memref<1x10240xf32, #tpu.memory_space<hbm>> -> memref<10240xf32, #tpu.memory_space<hbm>>
      %dma_wait3A_18 = arith.constant 0 : i32
      %dma_wait3A_19 = tpu.memref_slice %arg3[%add3A, %dma_wait3A_18] : memref<32x10240xf32, #tpu.memory_space<hbm>> -> memref<1x10240xf32, #tpu.memory_space<hbm>>
      %dma_wait3A_20 = tpu.memref_squeeze %dma_wait3A_19 : memref<1x10240xf32, #tpu.memory_space<hbm>> -> memref<10240xf32, #tpu.memory_space<hbm>>
      tpu.wait_dma2 semaphore(%run_scoped3A : memref<!tpu.dma_semaphore, #tpu.memory_space<semaphore_mem>>) src(%arg5 : memref<10240xf32, #tpu.memory_space<vmem>>) dst(%dma_wait3A_20 : memref<10240xf32, #tpu.memory_space<hbm>>)
      tpu.yield
    }) : () -> ()
    return
  }
}

#map = affine_map<(d0, d1) -> (0, 0)>
#map1 = affine_map<(d0, d1) -> (0, 0, 0)>
module attributes {stable_mosaic.version = 14 : i64} {
  func.func @body(%arg0: i32, %arg1: i32, %arg2: memref<10000x128xf32, #tpu.memory_space<hbm>>, %arg3: memref<32x79x128xi32, #tpu.memory_space<hbm>>, %arg4: memref<32x79x128xi32, #tpu.memory_space<hbm>>, %arg5: memref<2x10240x128xf32, #tpu.memory_space<hbm>>, %arg6: memref<79x128xi32, #tpu.memory_space<vmem>>, %arg7: memref<79x128xi32, #tpu.memory_space<vmem>>, %arg8: memref<128x128xf32, #tpu.memory_space<vmem>>, %arg9: memref<10240x128xf32, #tpu.memory_space<vmem_shared>>) attributes {dimension_semantics = [#tpu.dimension_semantics<core_parallel>, #tpu.dimension_semantics<subcore_parallel>], iteration_bounds = array<i64: 2, 16>, scalar_prefetch = 0 : i64, scratch_operands = 4 : i64, tpu.core_type = #tpu.core_type<sc_vector_subcore>, window_params = [{transform_indices = #map}, {transform_indices = #map1}, {transform_indices = #map1}, {transform_indices = #map1}]} {
    %scan3A = arith.constant 0 : i32
    %scan3A_0 = arith.constant 128 : i32
    %scan3A_1 = arith.addi %scan3A, %scan3A_0 : i32
    %scan3A_2 = arith.constant 1 : i32
    scf.for %scan3A_20 = %scan3A to %scan3A_1 step %scan3A_2  : i32 {
      %mul3A_21 = arith.constant 1 : i32
      %mul3A_22 = arith.muli %scan3A_20, %mul3A_21 : i32
      %add3A_23 = arith.constant 0 : i32
      %add3A_24 = arith.addi %add3A_23, %mul3A_22 : i32
      %scan3A_25 = arith.constant 0 : i32
      %scan3A_26 = arith.constant 8 : i32
      %scan3A_27 = arith.addi %scan3A_25, %scan3A_26 : i32
      %scan3A_28 = arith.constant 1 : i32
      scf.for %scan3A_30 = %scan3A_25 to %scan3A_27 step %scan3A_28  : i32 {
        %mul3A_31 = arith.constant 16 : i32
        %mul3A_32 = arith.muli %scan3A_30, %mul3A_31 : i32
        %add3A_33 = arith.constant 0 : i32
        %add3A_34 = arith.addi %add3A_33, %mul3A_32 : i32
        %broadcast_in_dim3A = arith.constant 0.000000e+00 : f32
        %broadcast_in_dim3A_35 = vector.broadcast %broadcast_in_dim3A : f32 to vector<16xf32>
        %swap3A = arith.index_cast %add3A_24 : i32 to index
        %swap3A_36 = arith.index_cast %add3A_34 : i32 to index
        %swap3A_37 = tpu.vector_load %arg8[%swap3A, %swap3A_36] {strides = array<i32>} : memref<128x128xf32, #tpu.memory_space<vmem>>, vector<1x16xf32>,
        %swap3A_38 = vector.shape_cast %swap3A_37 : vector<1x16xf32> to vector<16xf32>
        %swap3A_39 = vector.shape_cast %broadcast_in_dim3A_35 : vector<16xf32> to vector<1x16xf32>
        tpu.vector_store %arg8[%swap3A, %swap3A_36], %swap3A_39 {strides = array<i32>} : memref<128x128xf32, #tpu.memory_space<vmem>>, vector<1x16xf32>,
      }
      %scan3A_29 = arith.constant 8 : i32
    }
    %scan3A_3 = arith.constant 128 : i32
    %scan3A_4 = arith.constant 0 : i32
    %scan3A_5 = arith.constant 5 : i32
    %scan3A_6 = arith.addi %scan3A_4, %scan3A_5 : i32
    %scan3A_7 = arith.constant 1 : i32
    scf.for %scan3A_20 = %scan3A_4 to %scan3A_6 step %scan3A_7  : i32 {
      %mul3A_21 = arith.constant 1 : i32
      %mul3A_22 = arith.muli %scan3A_20, %mul3A_21 : i32
      %add3A_23 = arith.constant 0 : i32
      %add3A_24 = arith.addi %add3A_23, %mul3A_22 : i32
      %mul3A_25 = arith.constant 640 : i32
      %mul3A_26 = arith.muli %arg1, %mul3A_25 : i32
      %mul3A_27 = arith.constant 128 : i32
      %mul3A_28 = arith.muli %add3A_24, %mul3A_27 : i32
      %add3A_29 = arith.addi %mul3A_26, %mul3A_28 : i32
      "tpu.region"() ({
        %run_scoped3A = tpu.sem_alloc : memref<!tpu.dma_semaphore, #tpu.memory_space<semaphore_mem>>
        %dma_start3A = arith.constant 0 : i32
        %dma_start3A_30 = tpu.memref_slice %arg9[%add3A_29, %dma_start3A] : memref<10240x128xf32, #tpu.memory_space<vmem_shared>> -> memref<128x128xf32, #tpu.memory_space<vmem_shared>>
        %dma_start3A_31 = arith.constant 0 : i32
        %dma_start3A_32 = tpu.memref_slice %arg9[%add3A_29, %dma_start3A_31] : memref<10240x128xf32, #tpu.memory_space<vmem_shared>> -> memref<128x128xf32, #tpu.memory_space<vmem_shared>>
        tpu.enqueue_dma source(%arg8 : memref<128x128xf32, #tpu.memory_space<vmem>>) target(%dma_start3A_32 : memref<128x128xf32, #tpu.memory_space<vmem_shared>>) target_semaphore(%run_scoped3A : memref<!tpu.dma_semaphore, #tpu.memory_space<semaphore_mem>>)
        %dma_wait3A = arith.constant 0 : i32
        %dma_wait3A_33 = tpu.memref_slice %arg9[%add3A_29, %dma_wait3A] : memref<10240x128xf32, #tpu.memory_space<vmem_shared>> -> memref<128x128xf32, #tpu.memory_space<vmem_shared>>
        %dma_wait3A_34 = arith.constant 0 : i32
        %dma_wait3A_35 = tpu.memref_slice %arg9[%add3A_29, %dma_wait3A_34] : memref<10240x128xf32, #tpu.memory_space<vmem_shared>> -> memref<128x128xf32, #tpu.memory_space<vmem_shared>>
        tpu.wait_dma2 semaphore(%run_scoped3A : memref<!tpu.dma_semaphore, #tpu.memory_space<semaphore_mem>>) src(%arg8 : memref<128x128xf32, #tpu.memory_space<vmem>>) dst(%dma_wait3A_35 : memref<128x128xf32, #tpu.memory_space<vmem_shared>>)
        tpu.yield
      }) : () -> ()
    }
    %scan3A_8 = arith.constant 5 : i32
    %mul3A = arith.constant 2 : i32
    %mul3A_9 = arith.muli %arg1, %mul3A : i32
    %add3A = arith.addi %mul3A_9, %arg0 : i32
    "tpu.region"() ({
      %run_scoped3A = tpu.sem_alloc : memref<!tpu.dma_semaphore, #tpu.memory_space<semaphore_mem>>
      %dma_start3A = arith.constant 0 : i32
      %dma_start3A_20 = arith.constant 0 : i32
      %dma_start3A_21 = tpu.memref_slice %arg3[%add3A, %dma_start3A, %dma_start3A_20] : memref<32x79x128xi32, #tpu.memory_space<hbm>> -> memref<1x79x128xi32, #tpu.memory_space<hbm>>
      %dma_start3A_22 = tpu.memref_squeeze %dma_start3A_21 : memref<1x79x128xi32, #tpu.memory_space<hbm>> -> memref<79x128xi32, #tpu.memory_space<hbm>>
      %dma_start3A_23 = arith.constant 0 : i32
      %dma_start3A_24 = arith.constant 0 : i32
      %dma_start3A_25 = tpu.memref_slice %arg3[%add3A, %dma_start3A_23, %dma_start3A_24] : memref<32x79x128xi32, #tpu.memory_space<hbm>> -> memref<1x79x128xi32, #tpu.memory_space<hbm>>
      %dma_start3A_26 = tpu.memref_squeeze %dma_start3A_25 : memref<1x79x128xi32, #tpu.memory_space<hbm>> -> memref<79x128xi32, #tpu.memory_space<hbm>>
      tpu.enqueue_dma source(%dma_start3A_26 : memref<79x128xi32, #tpu.memory_space<hbm>>) target(%arg6 : memref<79x128xi32, #tpu.memory_space<vmem>>) target_semaphore(%run_scoped3A : memref<!tpu.dma_semaphore, #tpu.memory_space<semaphore_mem>>)
      %dma_wait3A = arith.constant 0 : i32
      %dma_wait3A_27 = arith.constant 0 : i32
      %dma_wait3A_28 = tpu.memref_slice %arg3[%add3A, %dma_wait3A, %dma_wait3A_27] : memref<32x79x128xi32, #tpu.memory_space<hbm>> -> memref<1x79x128xi32, #tpu.memory_space<hbm>>
      %dma_wait3A_29 = tpu.memref_squeeze %dma_wait3A_28 : memref<1x79x128xi32, #tpu.memory_space<hbm>> -> memref<79x128xi32, #tpu.memory_space<hbm>>
      %dma_wait3A_30 = arith.constant 0 : i32
      %dma_wait3A_31 = arith.constant 0 : i32
      %dma_wait3A_32 = tpu.memref_slice %arg3[%add3A, %dma_wait3A_30, %dma_wait3A_31] : memref<32x79x128xi32, #tpu.memory_space<hbm>> -> memref<1x79x128xi32, #tpu.memory_space<hbm>>
      %dma_wait3A_33 = tpu.memref_squeeze %dma_wait3A_32 : memref<1x79x128xi32, #tpu.memory_space<hbm>> -> memref<79x128xi32, #tpu.memory_space<hbm>>
      tpu.wait_dma2 semaphore(%run_scoped3A : memref<!tpu.dma_semaphore, #tpu.memory_space<semaphore_mem>>) src(%dma_wait3A_33 : memref<79x128xi32, #tpu.memory_space<hbm>>) dst(%arg6 : memref<79x128xi32, #tpu.memory_space<vmem>>)
      tpu.yield
    }) : () -> ()
    "tpu.region"() ({
      %run_scoped3A = tpu.sem_alloc : memref<!tpu.dma_semaphore, #tpu.memory_space<semaphore_mem>>
      %dma_start3A = arith.constant 0 : i32
      %dma_start3A_20 = arith.constant 0 : i32
      %dma_start3A_21 = tpu.memref_slice %arg4[%add3A, %dma_start3A, %dma_start3A_20] : memref<32x79x128xi32, #tpu.memory_space<hbm>> -> memref<1x79x128xi32, #tpu.memory_space<hbm>>
      %dma_start3A_22 = tpu.memref_squeeze %dma_start3A_21 : memref<1x79x128xi32, #tpu.memory_space<hbm>> -> memref<79x128xi32, #tpu.memory_space<hbm>>
      %dma_start3A_23 = arith.constant 0 : i32
      %dma_start3A_24 = arith.constant 0 : i32
      %dma_start3A_25 = tpu.memref_slice %arg4[%add3A, %dma_start3A_23, %dma_start3A_24] : memref<32x79x128xi32, #tpu.memory_space<hbm>> -> memref<1x79x128xi32, #tpu.memory_space<hbm>>
      %dma_start3A_26 = tpu.memref_squeeze %dma_start3A_25 : memref<1x79x128xi32, #tpu.memory_space<hbm>> -> memref<79x128xi32, #tpu.memory_space<hbm>>
      tpu.enqueue_dma source(%dma_start3A_26 : memref<79x128xi32, #tpu.memory_space<hbm>>) target(%arg7 : memref<79x128xi32, #tpu.memory_space<vmem>>) target_semaphore(%run_scoped3A : memref<!tpu.dma_semaphore, #tpu.memory_space<semaphore_mem>>)
      %dma_wait3A = arith.constant 0 : i32
      %dma_wait3A_27 = arith.constant 0 : i32
      %dma_wait3A_28 = tpu.memref_slice %arg4[%add3A, %dma_wait3A, %dma_wait3A_27] : memref<32x79x128xi32, #tpu.memory_space<hbm>> -> memref<1x79x128xi32, #tpu.memory_space<hbm>>
      %dma_wait3A_29 = tpu.memref_squeeze %dma_wait3A_28 : memref<1x79x128xi32, #tpu.memory_space<hbm>> -> memref<79x128xi32, #tpu.memory_space<hbm>>
      %dma_wait3A_30 = arith.constant 0 : i32
      %dma_wait3A_31 = arith.constant 0 : i32
      %dma_wait3A_32 = tpu.memref_slice %arg4[%add3A, %dma_wait3A_30, %dma_wait3A_31] : memref<32x79x128xi32, #tpu.memory_space<hbm>> -> memref<1x79x128xi32, #tpu.memory_space<hbm>>
      %dma_wait3A_33 = tpu.memref_squeeze %dma_wait3A_32 : memref<1x79x128xi32, #tpu.memory_space<hbm>> -> memref<79x128xi32, #tpu.memory_space<hbm>>
      tpu.wait_dma2 semaphore(%run_scoped3A : memref<!tpu.dma_semaphore, #tpu.memory_space<semaphore_mem>>) src(%dma_wait3A_33 : memref<79x128xi32, #tpu.memory_space<hbm>>) dst(%arg7 : memref<79x128xi32, #tpu.memory_space<vmem>>)
      tpu.yield
    }) : () -> ()
    %barrier3A = arith.constant 0 : index
    tpu.barrier barrier_id(%barrier3A)
    %scan3A_10 = arith.constant 0 : i32
    %scan3A_11 = arith.constant 79 : i32
    %scan3A_12 = arith.addi %scan3A_10, %scan3A_11 : i32
    %scan3A_13 = arith.constant 1 : i32
    scf.for %scan3A_20 = %scan3A_10 to %scan3A_12 step %scan3A_13  : i32 {
      %mul3A_21 = arith.constant 1 : i32
      %mul3A_22 = arith.muli %scan3A_20, %mul3A_21 : i32
      %add3A_23 = arith.constant 0 : i32
      %add3A_24 = arith.addi %add3A_23, %mul3A_22 : i32
      "tpu.region"() ({
        %run_scoped3A = tpu.sem_alloc : memref<!tpu.dma_semaphore, #tpu.memory_space<semaphore_mem>>
        %dma_start3A = arith.constant 0 : i32
        %dma_start3A_25 = tpu.memref_slice %arg6[%add3A_24, %dma_start3A] : memref<79x128xi32, #tpu.memory_space<vmem>> -> memref<1x128xi32, #tpu.memory_space<vmem>>
        %dma_start3A_26 = tpu.memref_squeeze %dma_start3A_25 : memref<1x128xi32, #tpu.memory_space<vmem>> -> memref<128xi32, #tpu.memory_space<vmem>>
        %dma_start3A_27 = arith.constant 0 : i32
        %dma_start3A_28 = arith.constant 0 : i32
        %dma_start3A_29 = tpu.memref_slice %arg2[%dma_start3A_27, %dma_start3A_28] : memref<10000x128xf32, #tpu.memory_space<hbm>> -> memref<10000x128xf32, #tpu.memory_space<hbm>>
        tpu.enqueue_indirect_dma source(%dma_start3A_29 : memref<10000x128xf32, #tpu.memory_space<hbm>>) target(%arg8 : memref<128x128xf32, #tpu.memory_space<vmem>>) offsets(%dma_start3A_26 : memref<128xi32, #tpu.memory_space<vmem>>) semaphore(%run_scoped3A : memref<!tpu.dma_semaphore, #tpu.memory_space<semaphore_mem>>)
        %dma_wait3A = arith.constant 0 : i32
        %dma_wait3A_30 = tpu.memref_slice %arg6[%add3A_24, %dma_wait3A] : memref<79x128xi32, #tpu.memory_space<vmem>> -> memref<1x128xi32, #tpu.memory_space<vmem>>
        %dma_wait3A_31 = tpu.memref_squeeze %dma_wait3A_30 : memref<1x128xi32, #tpu.memory_space<vmem>> -> memref<128xi32, #tpu.memory_space<vmem>>
        %dma_wait3A_32 = arith.constant 0 : i32
        %dma_wait3A_33 = arith.constant 0 : i32
        %dma_wait3A_34 = tpu.memref_slice %arg2[%dma_wait3A_32, %dma_wait3A_33] : memref<10000x128xf32, #tpu.memory_space<hbm>> -> memref<10000x128xf32, #tpu.memory_space<hbm>>
        tpu.wait_indirect_dma semaphore(%run_scoped3A : memref<!tpu.dma_semaphore, #tpu.memory_space<semaphore_mem>>) src(%dma_wait3A_34 : memref<10000x128xf32, #tpu.memory_space<hbm>>) dst(%arg8 : memref<128x128xf32, #tpu.memory_space<vmem>>)
        tpu.yield
      }) : () -> ()
      "tpu.region"() ({
        %run_scoped3A = tpu.sem_alloc : memref<!tpu.dma_semaphore, #tpu.memory_space<semaphore_mem>>
        %dma_start3A = arith.constant 0 : i32
        %dma_start3A_25 = tpu.memref_slice %arg7[%add3A_24, %dma_start3A] : memref<79x128xi32, #tpu.memory_space<vmem>> -> memref<1x128xi32, #tpu.memory_space<vmem>>
        %dma_start3A_26 = tpu.memref_squeeze %dma_start3A_25 : memref<1x128xi32, #tpu.memory_space<vmem>> -> memref<128xi32, #tpu.memory_space<vmem>>
        %dma_start3A_27 = arith.constant 0 : i32
        %dma_start3A_28 = arith.constant 0 : i32
        %dma_start3A_29 = tpu.memref_slice %arg9[%dma_start3A_27, %dma_start3A_28] : memref<10240x128xf32, #tpu.memory_space<vmem_shared>> -> memref<10240x128xf32, #tpu.memory_space<vmem_shared>>
        tpu.enqueue_indirect_dma source(%arg8 : memref<128x128xf32, #tpu.memory_space<vmem>>) target(%dma_start3A_29 : memref<10240x128xf32, #tpu.memory_space<vmem_shared>>) offsets(%dma_start3A_26 : memref<128xi32, #tpu.memory_space<vmem>>) semaphore(%run_scoped3A : memref<!tpu.dma_semaphore, #tpu.memory_space<semaphore_mem>>) {add = true}
        %dma_wait3A = arith.constant 0 : i32
        %dma_wait3A_30 = tpu.memref_slice %arg7[%add3A_24, %dma_wait3A] : memref<79x128xi32, #tpu.memory_space<vmem>> -> memref<1x128xi32, #tpu.memory_space<vmem>>
        %dma_wait3A_31 = tpu.memref_squeeze %dma_wait3A_30 : memref<1x128xi32, #tpu.memory_space<vmem>> -> memref<128xi32, #tpu.memory_space<vmem>>
        %dma_wait3A_32 = arith.constant 0 : i32
        %dma_wait3A_33 = arith.constant 0 : i32
        %dma_wait3A_34 = tpu.memref_slice %arg9[%dma_wait3A_32, %dma_wait3A_33] : memref<10240x128xf32, #tpu.memory_space<vmem_shared>> -> memref<10240x128xf32, #tpu.memory_space<vmem_shared>>
        tpu.wait_indirect_dma semaphore(%run_scoped3A : memref<!tpu.dma_semaphore, #tpu.memory_space<semaphore_mem>>) src(%arg8 : memref<128x128xf32, #tpu.memory_space<vmem>>) dst(%dma_wait3A_34 : memref<10240x128xf32, #tpu.memory_space<vmem_shared>>)
        tpu.yield
      }) : () -> ()
    }
    %scan3A_14 = arith.constant 79 : i32
    %barrier3A_15 = arith.constant 0 : index
    tpu.barrier barrier_id(%barrier3A_15)
    %mul3A_16 = arith.constant 640 : i32
    %mul3A_17 = arith.muli %arg1, %mul3A_16 : i32
    %mul3A_18 = arith.constant 640 : i32
    %mul3A_19 = arith.muli %arg1, %mul3A_18 : i32
    "tpu.region"() ({
      %run_scoped3A = tpu.sem_alloc : memref<!tpu.dma_semaphore, #tpu.memory_space<semaphore_mem>>
      %dma_start3A = arith.constant 0 : i32
      %dma_start3A_20 = arith.constant 0 : i32
      %dma_start3A_21 = tpu.memref_slice %arg5[%arg0, %dma_start3A, %dma_start3A_20] : memref<2x10240x128xf32, #tpu.memory_space<hbm>> -> memref<1x10240x128xf32, #tpu.memory_space<hbm>>
      %dma_start3A_22 = tpu.memref_squeeze %dma_start3A_21 : memref<1x10240x128xf32, #tpu.memory_space<hbm>> -> memref<10240x128xf32, #tpu.memory_space<hbm>>
      %dma_start3A_23 = arith.constant 0 : i32
      %dma_start3A_24 = tpu.memref_slice %dma_start3A_22[%mul3A_19, %dma_start3A_23] : memref<10240x128xf32, #tpu.memory_space<hbm>> -> memref<640x128xf32, #tpu.memory_space<hbm>>
      %dma_start3A_25 = arith.constant 0 : i32
      %dma_start3A_26 = tpu.memref_slice %arg9[%mul3A_17, %dma_start3A_25] : memref<10240x128xf32, #tpu.memory_space<vmem_shared>> -> memref<640x128xf32, #tpu.memory_space<vmem_shared>>
      tpu.enqueue_dma source(%dma_start3A_26 : memref<640x128xf32, #tpu.memory_space<vmem_shared>>) target(%dma_start3A_24 : memref<640x128xf32, #tpu.memory_space<hbm>>) target_semaphore(%run_scoped3A : memref<!tpu.dma_semaphore, #tpu.memory_space<semaphore_mem>>)
      %dma_wait3A = arith.constant 0 : i32
      %dma_wait3A_27 = arith.constant 0 : i32
      %dma_wait3A_28 = tpu.memref_slice %arg5[%arg0, %dma_wait3A, %dma_wait3A_27] : memref<2x10240x128xf32, #tpu.memory_space<hbm>> -> memref<1x10240x128xf32, #tpu.memory_space<hbm>>
      %dma_wait3A_29 = tpu.memref_squeeze %dma_wait3A_28 : memref<1x10240x128xf32, #tpu.memory_space<hbm>> -> memref<10240x128xf32, #tpu.memory_space<hbm>>
      %dma_wait3A_30 = arith.constant 0 : i32
      %dma_wait3A_31 = tpu.memref_slice %dma_wait3A_29[%mul3A_19, %dma_wait3A_30] : memref<10240x128xf32, #tpu.memory_space<hbm>> -> memref<640x128xf32, #tpu.memory_space<hbm>>
      %dma_wait3A_32 = arith.constant 0 : i32
      %dma_wait3A_33 = tpu.memref_slice %arg9[%mul3A_17, %dma_wait3A_32] : memref<10240x128xf32, #tpu.memory_space<vmem_shared>> -> memref<640x128xf32, #tpu.memory_space<vmem_shared>>
      tpu.wait_dma2 semaphore(%run_scoped3A : memref<!tpu.dma_semaphore, #tpu.memory_space<semaphore_mem>>) src(%dma_wait3A_33 : memref<640x128xf32, #tpu.memory_space<vmem_shared>>) dst(%dma_wait3A_31 : memref<640x128xf32, #tpu.memory_space<hbm>>)
      tpu.yield
    }) : () -> ()
    return
  }
}

#map = affine_map<(d0, d1) -> (0, 0)>
#map1 = affine_map<(d0, d1) -> (0, 0, 0)>
module attributes {stable_mosaic.version = 14 : i64} {
  func.func @body(%arg0: i32, %arg1: i32, %arg2: memref<10000x128xf32, #tpu.memory_space<hbm>>, %arg3: memref<32x79x128xi32, #tpu.memory_space<hbm>>, %arg4: memref<32x79x128xi32, #tpu.memory_space<hbm>>, %arg5: memref<2x10240x128xf32, #tpu.memory_space<hbm>>, %arg6: memref<79x128xi32, #tpu.memory_space<vmem>>, %arg7: memref<79x128xi32, #tpu.memory_space<vmem>>, %arg8: memref<128x128xf32, #tpu.memory_space<vmem>>, %arg9: memref<10240x128xf32, #tpu.memory_space<vmem_shared>>) attributes {dimension_semantics = [#tpu.dimension_semantics<core_parallel>, #tpu.dimension_semantics<subcore_parallel>], iteration_bounds = array<i64: 2, 16>, scalar_prefetch = 0 : i64, scratch_operands = 4 : i64, tpu.core_type = #tpu.core_type<sc_vector_subcore>, window_params = [{transform_indices = #map}, {transform_indices = #map1}, {transform_indices = #map1}, {transform_indices = #map1}]} {
    %scan3A = arith.constant 0 : i32
    %scan3A_0 = arith.constant 128 : i32
    %scan3A_1 = arith.addi %scan3A, %scan3A_0 : i32
    %scan3A_2 = arith.constant 1 : i32
    scf.for %scan3A_20 = %scan3A to %scan3A_1 step %scan3A_2  : i32 {
      %mul3A_21 = arith.constant 1 : i32
      %mul3A_22 = arith.muli %scan3A_20, %mul3A_21 : i32
      %add3A_23 = arith.constant 0 : i32
      %add3A_24 = arith.addi %add3A_23, %mul3A_22 : i32
      %scan3A_25 = arith.constant 0 : i32
      %scan3A_26 = arith.constant 8 : i32
      %scan3A_27 = arith.addi %scan3A_25, %scan3A_26 : i32
      %scan3A_28 = arith.constant 1 : i32
      scf.for %scan3A_30 = %scan3A_25 to %scan3A_27 step %scan3A_28  : i32 {
        %mul3A_31 = arith.constant 16 : i32
        %mul3A_32 = arith.muli %scan3A_30, %mul3A_31 : i32
        %add3A_33 = arith.constant 0 : i32
        %add3A_34 = arith.addi %add3A_33, %mul3A_32 : i32
        %broadcast_in_dim3A = arith.constant 0.000000e+00 : f32
        %broadcast_in_dim3A_35 = vector.broadcast %broadcast_in_dim3A : f32 to vector<16xf32>
        %swap3A = arith.index_cast %add3A_24 : i32 to index
        %swap3A_36 = arith.index_cast %add3A_34 : i32 to index
        %swap3A_37 = tpu.vector_load %arg8[%swap3A, %swap3A_36] {strides = array<i32>} : memref<128x128xf32, #tpu.memory_space<vmem>>, vector<1x16xf32>,
        %swap3A_38 = vector.shape_cast %swap3A_37 : vector<1x16xf32> to vector<16xf32>
        %swap3A_39 = vector.shape_cast %broadcast_in_dim3A_35 : vector<16xf32> to vector<1x16xf32>
        tpu.vector_store %arg8[%swap3A, %swap3A_36], %swap3A_39 {strides = array<i32>} : memref<128x128xf32, #tpu.memory_space<vmem>>, vector<1x16xf32>,
      }
      %scan3A_29 = arith.constant 8 : i32
    }
    %scan3A_3 = arith.constant 128 : i32
    %scan3A_4 = arith.constant 0 : i32
    %scan3A_5 = arith.constant 5 : i32
    %scan3A_6 = arith.addi %scan3A_4, %scan3A_5 : i32
    %scan3A_7 = arith.constant 1 : i32
    scf.for %scan3A_20 = %scan3A_4 to %scan3A_6 step %scan3A_7  : i32 {
      %mul3A_21 = arith.constant 1 : i32
      %mul3A_22 = arith.muli %scan3A_20, %mul3A_21 : i32
      %add3A_23 = arith.constant 0 : i32
      %add3A_24 = arith.addi %add3A_23, %mul3A_22 : i32
      %mul3A_25 = arith.constant 640 : i32
      %mul3A_26 = arith.muli %arg1, %mul3A_25 : i32
      %mul3A_27 = arith.constant 128 : i32
      %mul3A_28 = arith.muli %add3A_24, %mul3A_27 : i32
      %add3A_29 = arith.addi %mul3A_26, %mul3A_28 : i32
      "tpu.region"() ({
        %run_scoped3A = tpu.sem_alloc : memref<!tpu.dma_semaphore, #tpu.memory_space<semaphore_mem>>
        %dma_start3A = arith.constant 0 : i32
        %dma_start3A_30 = tpu.memref_slice %arg9[%add3A_29, %dma_start3A] : memref<10240x128xf32, #tpu.memory_space<vmem_shared>> -> memref<128x128xf32, #tpu.memory_space<vmem_shared>>
        %dma_start3A_31 = arith.constant 0 : i32
        %dma_start3A_32 = tpu.memref_slice %arg9[%add3A_29, %dma_start3A_31] : memref<10240x128xf32, #tpu.memory_space<vmem_shared>> -> memref<128x128xf32, #tpu.memory_space<vmem_shared>>
        tpu.enqueue_dma source(%arg8 : memref<128x128xf32, #tpu.memory_space<vmem>>) target(%dma_start3A_32 : memref<128x128xf32, #tpu.memory_space<vmem_shared>>) target_semaphore(%run_scoped3A : memref<!tpu.dma_semaphore, #tpu.memory_space<semaphore_mem>>)
        %dma_wait3A = arith.constant 0 : i32
        %dma_wait3A_33 = tpu.memref_slice %arg9[%add3A_29, %dma_wait3A] : memref<10240x128xf32, #tpu.memory_space<vmem_shared>> -> memref<128x128xf32, #tpu.memory_space<vmem_shared>>
        %dma_wait3A_34 = arith.constant 0 : i32
        %dma_wait3A_35 = tpu.memref_slice %arg9[%add3A_29, %dma_wait3A_34] : memref<10240x128xf32, #tpu.memory_space<vmem_shared>> -> memref<128x128xf32, #tpu.memory_space<vmem_shared>>
        tpu.wait_dma2 semaphore(%run_scoped3A : memref<!tpu.dma_semaphore, #tpu.memory_space<semaphore_mem>>) src(%arg8 : memref<128x128xf32, #tpu.memory_space<vmem>>) dst(%dma_wait3A_35 : memref<128x128xf32, #tpu.memory_space<vmem_shared>>)
        tpu.yield
      }) : () -> ()
    }
    %scan3A_8 = arith.constant 5 : i32
    %mul3A = arith.constant 2 : i32
    %mul3A_9 = arith.muli %arg1, %mul3A : i32
    %add3A = arith.addi %mul3A_9, %arg0 : i32
    "tpu.region"() ({
      %run_scoped3A = tpu.sem_alloc : memref<!tpu.dma_semaphore, #tpu.memory_space<semaphore_mem>>
      %dma_start3A = arith.constant 0 : i32
      %dma_start3A_20 = arith.constant 0 : i32
      %dma_start3A_21 = tpu.memref_slice %arg3[%add3A, %dma_start3A, %dma_start3A_20] : memref<32x79x128xi32, #tpu.memory_space<hbm>> -> memref<1x79x128xi32, #tpu.memory_space<hbm>>
      %dma_start3A_22 = tpu.memref_squeeze %dma_start3A_21 : memref<1x79x128xi32, #tpu.memory_space<hbm>> -> memref<79x128xi32, #tpu.memory_space<hbm>>
      %dma_start3A_23 = arith.constant 0 : i32
      %dma_start3A_24 = arith.constant 0 : i32
      %dma_start3A_25 = tpu.memref_slice %arg3[%add3A, %dma_start3A_23, %dma_start3A_24] : memref<32x79x128xi32, #tpu.memory_space<hbm>> -> memref<1x79x128xi32, #tpu.memory_space<hbm>>
      %dma_start3A_26 = tpu.memref_squeeze %dma_start3A_25 : memref<1x79x128xi32, #tpu.memory_space<hbm>> -> memref<79x128xi32, #tpu.memory_space<hbm>>
      tpu.enqueue_dma source(%dma_start3A_26 : memref<79x128xi32, #tpu.memory_space<hbm>>) target(%arg6 : memref<79x128xi32, #tpu.memory_space<vmem>>) target_semaphore(%run_scoped3A : memref<!tpu.dma_semaphore, #tpu.memory_space<semaphore_mem>>)
      %dma_wait3A = arith.constant 0 : i32
      %dma_wait3A_27 = arith.constant 0 : i32
      %dma_wait3A_28 = tpu.memref_slice %arg3[%add3A, %dma_wait3A, %dma_wait3A_27] : memref<32x79x128xi32, #tpu.memory_space<hbm>> -> memref<1x79x128xi32, #tpu.memory_space<hbm>>
      %dma_wait3A_29 = tpu.memref_squeeze %dma_wait3A_28 : memref<1x79x128xi32, #tpu.memory_space<hbm>> -> memref<79x128xi32, #tpu.memory_space<hbm>>
      %dma_wait3A_30 = arith.constant 0 : i32
      %dma_wait3A_31 = arith.constant 0 : i32
      %dma_wait3A_32 = tpu.memref_slice %arg3[%add3A, %dma_wait3A_30, %dma_wait3A_31] : memref<32x79x128xi32, #tpu.memory_space<hbm>> -> memref<1x79x128xi32, #tpu.memory_space<hbm>>
      %dma_wait3A_33 = tpu.memref_squeeze %dma_wait3A_32 : memref<1x79x128xi32, #tpu.memory_space<hbm>> -> memref<79x128xi32, #tpu.memory_space<hbm>>
      tpu.wait_dma2 semaphore(%run_scoped3A : memref<!tpu.dma_semaphore, #tpu.memory_space<semaphore_mem>>) src(%dma_wait3A_33 : memref<79x128xi32, #tpu.memory_space<hbm>>) dst(%arg6 : memref<79x128xi32, #tpu.memory_space<vmem>>)
      tpu.yield
    }) : () -> ()
    "tpu.region"() ({
      %run_scoped3A = tpu.sem_alloc : memref<!tpu.dma_semaphore, #tpu.memory_space<semaphore_mem>>
      %dma_start3A = arith.constant 0 : i32
      %dma_start3A_20 = arith.constant 0 : i32
      %dma_start3A_21 = tpu.memref_slice %arg4[%add3A, %dma_start3A, %dma_start3A_20] : memref<32x79x128xi32, #tpu.memory_space<hbm>> -> memref<1x79x128xi32, #tpu.memory_space<hbm>>
      %dma_start3A_22 = tpu.memref_squeeze %dma_start3A_21 : memref<1x79x128xi32, #tpu.memory_space<hbm>> -> memref<79x128xi32, #tpu.memory_space<hbm>>
      %dma_start3A_23 = arith.constant 0 : i32
      %dma_start3A_24 = arith.constant 0 : i32
      %dma_start3A_25 = tpu.memref_slice %arg4[%add3A, %dma_start3A_23, %dma_start3A_24] : memref<32x79x128xi32, #tpu.memory_space<hbm>> -> memref<1x79x128xi32, #tpu.memory_space<hbm>>
      %dma_start3A_26 = tpu.memref_squeeze %dma_start3A_25 : memref<1x79x128xi32, #tpu.memory_space<hbm>> -> memref<79x128xi32, #tpu.memory_space<hbm>>
      tpu.enqueue_dma source(%dma_start3A_26 : memref<79x128xi32, #tpu.memory_space<hbm>>) target(%arg7 : memref<79x128xi32, #tpu.memory_space<vmem>>) target_semaphore(%run_scoped3A : memref<!tpu.dma_semaphore, #tpu.memory_space<semaphore_mem>>)
      %dma_wait3A = arith.constant 0 : i32
      %dma_wait3A_27 = arith.constant 0 : i32
      %dma_wait3A_28 = tpu.memref_slice %arg4[%add3A, %dma_wait3A, %dma_wait3A_27] : memref<32x79x128xi32, #tpu.memory_space<hbm>> -> memref<1x79x128xi32, #tpu.memory_space<hbm>>
      %dma_wait3A_29 = tpu.memref_squeeze %dma_wait3A_28 : memref<1x79x128xi32, #tpu.memory_space<hbm>> -> memref<79x128xi32, #tpu.memory_space<hbm>>
      %dma_wait3A_30 = arith.constant 0 : i32
      %dma_wait3A_31 = arith.constant 0 : i32
      %dma_wait3A_32 = tpu.memref_slice %arg4[%add3A, %dma_wait3A_30, %dma_wait3A_31] : memref<32x79x128xi32, #tpu.memory_space<hbm>> -> memref<1x79x128xi32, #tpu.memory_space<hbm>>
      %dma_wait3A_33 = tpu.memref_squeeze %dma_wait3A_32 : memref<1x79x128xi32, #tpu.memory_space<hbm>> -> memref<79x128xi32, #tpu.memory_space<hbm>>
      tpu.wait_dma2 semaphore(%run_scoped3A : memref<!tpu.dma_semaphore, #tpu.memory_space<semaphore_mem>>) src(%dma_wait3A_33 : memref<79x128xi32, #tpu.memory_space<hbm>>) dst(%arg7 : memref<79x128xi32, #tpu.memory_space<vmem>>)
      tpu.yield
    }) : () -> ()
    %barrier3A = arith.constant 0 : index
    tpu.barrier barrier_id(%barrier3A)
    %scan3A_10 = arith.constant 0 : i32
    %scan3A_11 = arith.constant 79 : i32
    %scan3A_12 = arith.addi %scan3A_10, %scan3A_11 : i32
    %scan3A_13 = arith.constant 1 : i32
    scf.for %scan3A_20 = %scan3A_10 to %scan3A_12 step %scan3A_13  : i32 {
      %mul3A_21 = arith.constant 1 : i32
      %mul3A_22 = arith.muli %scan3A_20, %mul3A_21 : i32
      %add3A_23 = arith.constant 0 : i32
      %add3A_24 = arith.addi %add3A_23, %mul3A_22 : i32
      "tpu.region"() ({
        %run_scoped3A = tpu.sem_alloc : memref<!tpu.dma_semaphore, #tpu.memory_space<semaphore_mem>>
        %dma_start3A = arith.constant 0 : i32
        %dma_start3A_25 = tpu.memref_slice %arg6[%add3A_24, %dma_start3A] : memref<79x128xi32, #tpu.memory_space<vmem>> -> memref<1x128xi32, #tpu.memory_space<vmem>>
        %dma_start3A_26 = tpu.memref_squeeze %dma_start3A_25 : memref<1x128xi32, #tpu.memory_space<vmem>> -> memref<128xi32, #tpu.memory_space<vmem>>
        %dma_start3A_27 = arith.constant 0 : i32
        %dma_start3A_28 = arith.constant 0 : i32
        %dma_start3A_29 = tpu.memref_slice %arg2[%dma_start3A_27, %dma_start3A_28] : memref<10000x128xf32, #tpu.memory_space<hbm>> -> memref<10000x128xf32, #tpu.memory_space<hbm>>
        tpu.enqueue_indirect_dma source(%dma_start3A_29 : memref<10000x128xf32, #tpu.memory_space<hbm>>) target(%arg8 : memref<128x128xf32, #tpu.memory_space<vmem>>) offsets(%dma_start3A_26 : memref<128xi32, #tpu.memory_space<vmem>>) semaphore(%run_scoped3A : memref<!tpu.dma_semaphore, #tpu.memory_space<semaphore_mem>>)
        %dma_wait3A = arith.constant 0 : i32
        %dma_wait3A_30 = tpu.memref_slice %arg6[%add3A_24, %dma_wait3A] : memref<79x128xi32, #tpu.memory_space<vmem>> -> memref<1x128xi32, #tpu.memory_space<vmem>>
        %dma_wait3A_31 = tpu.memref_squeeze %dma_wait3A_30 : memref<1x128xi32, #tpu.memory_space<vmem>> -> memref<128xi32, #tpu.memory_space<vmem>>
        %dma_wait3A_32 = arith.constant 0 : i32
        %dma_wait3A_33 = arith.constant 0 : i32
        %dma_wait3A_34 = tpu.memref_slice %arg2[%dma_wait3A_32, %dma_wait3A_33] : memref<10000x128xf32, #tpu.memory_space<hbm>> -> memref<10000x128xf32, #tpu.memory_space<hbm>>
        tpu.wait_indirect_dma semaphore(%run_scoped3A : memref<!tpu.dma_semaphore, #tpu.memory_space<semaphore_mem>>) src(%dma_wait3A_34 : memref<10000x128xf32, #tpu.memory_space<hbm>>) dst(%arg8 : memref<128x128xf32, #tpu.memory_space<vmem>>)
        tpu.yield
      }) : () -> ()
      "tpu.region"() ({
        %run_scoped3A = tpu.sem_alloc : memref<!tpu.dma_semaphore, #tpu.memory_space<semaphore_mem>>
        %dma_start3A = arith.constant 0 : i32
        %dma_start3A_25 = tpu.memref_slice %arg7[%add3A_24, %dma_start3A] : memref<79x128xi32, #tpu.memory_space<vmem>> -> memref<1x128xi32, #tpu.memory_space<vmem>>
        %dma_start3A_26 = tpu.memref_squeeze %dma_start3A_25 : memref<1x128xi32, #tpu.memory_space<vmem>> -> memref<128xi32, #tpu.memory_space<vmem>>
        %dma_start3A_27 = arith.constant 0 : i32
        %dma_start3A_28 = arith.constant 0 : i32
        %dma_start3A_29 = tpu.memref_slice %arg9[%dma_start3A_27, %dma_start3A_28] : memref<10240x128xf32, #tpu.memory_space<vmem_shared>> -> memref<10240x128xf32, #tpu.memory_space<vmem_shared>>
        tpu.enqueue_indirect_dma source(%arg8 : memref<128x128xf32, #tpu.memory_space<vmem>>) target(%dma_start3A_29 : memref<10240x128xf32, #tpu.memory_space<vmem_shared>>) offsets(%dma_start3A_26 : memref<128xi32, #tpu.memory_space<vmem>>) semaphore(%run_scoped3A : memref<!tpu.dma_semaphore, #tpu.memory_space<semaphore_mem>>) {add = true}
        %dma_wait3A = arith.constant 0 : i32
        %dma_wait3A_30 = tpu.memref_slice %arg7[%add3A_24, %dma_wait3A] : memref<79x128xi32, #tpu.memory_space<vmem>> -> memref<1x128xi32, #tpu.memory_space<vmem>>
        %dma_wait3A_31 = tpu.memref_squeeze %dma_wait3A_30 : memref<1x128xi32, #tpu.memory_space<vmem>> -> memref<128xi32, #tpu.memory_space<vmem>>
        %dma_wait3A_32 = arith.constant 0 : i32
        %dma_wait3A_33 = arith.constant 0 : i32
        %dma_wait3A_34 = tpu.memref_slice %arg9[%dma_wait3A_32, %dma_wait3A_33] : memref<10240x128xf32, #tpu.memory_space<vmem_shared>> -> memref<10240x128xf32, #tpu.memory_space<vmem_shared>>
        tpu.wait_indirect_dma semaphore(%run_scoped3A : memref<!tpu.dma_semaphore, #tpu.memory_space<semaphore_mem>>) src(%arg8 : memref<128x128xf32, #tpu.memory_space<vmem>>) dst(%dma_wait3A_34 : memref<10240x128xf32, #tpu.memory_space<vmem_shared>>)
        tpu.yield
      }) : () -> ()
    }
    %scan3A_14 = arith.constant 79 : i32
    %barrier3A_15 = arith.constant 0 : index
    tpu.barrier barrier_id(%barrier3A_15)
    %mul3A_16 = arith.constant 640 : i32
    %mul3A_17 = arith.muli %arg1, %mul3A_16 : i32
    %mul3A_18 = arith.constant 640 : i32
    %mul3A_19 = arith.muli %arg1, %mul3A_18 : i32
    "tpu.region"() ({
      %run_scoped3A = tpu.sem_alloc : memref<!tpu.dma_semaphore, #tpu.memory_space<semaphore_mem>>
      %dma_start3A = arith.constant 0 : i32
      %dma_start3A_20 = arith.constant 0 : i32
      %dma_start3A_21 = tpu.memref_slice %arg5[%arg0, %dma_start3A, %dma_start3A_20] : memref<2x10240x128xf32, #tpu.memory_space<hbm>> -> memref<1x10240x128xf32, #tpu.memory_space<hbm>>
      %dma_start3A_22 = tpu.memref_squeeze %dma_start3A_21 : memref<1x10240x128xf32, #tpu.memory_space<hbm>> -> memref<10240x128xf32, #tpu.memory_space<hbm>>
      %dma_start3A_23 = arith.constant 0 : i32
      %dma_start3A_24 = tpu.memref_slice %dma_start3A_22[%mul3A_19, %dma_start3A_23] : memref<10240x128xf32, #tpu.memory_space<hbm>> -> memref<640x128xf32, #tpu.memory_space<hbm>>
      %dma_start3A_25 = arith.constant 0 : i32
      %dma_start3A_26 = tpu.memref_slice %arg9[%mul3A_17, %dma_start3A_25] : memref<10240x128xf32, #tpu.memory_space<vmem_shared>> -> memref<640x128xf32, #tpu.memory_space<vmem_shared>>
      tpu.enqueue_dma source(%dma_start3A_26 : memref<640x128xf32, #tpu.memory_space<vmem_shared>>) target(%dma_start3A_24 : memref<640x128xf32, #tpu.memory_space<hbm>>) target_semaphore(%run_scoped3A : memref<!tpu.dma_semaphore, #tpu.memory_space<semaphore_mem>>)
      %dma_wait3A = arith.constant 0 : i32
      %dma_wait3A_27 = arith.constant 0 : i32
      %dma_wait3A_28 = tpu.memref_slice %arg5[%arg0, %dma_wait3A, %dma_wait3A_27] : memref<2x10240x128xf32, #tpu.memory_space<hbm>> -> memref<1x10240x128xf32, #tpu.memory_space<hbm>>
      %dma_wait3A_29 = tpu.memref_squeeze %dma_wait3A_28 : memref<1x10240x128xf32, #tpu.memory_space<hbm>> -> memref<10240x128xf32, #tpu.memory_space<hbm>>
      %dma_wait3A_30 = arith.constant 0 : i32
      %dma_wait3A_31 = tpu.memref_slice %dma_wait3A_29[%mul3A_19, %dma_wait3A_30] : memref<10240x128xf32, #tpu.memory_space<hbm>> -> memref<640x128xf32, #tpu.memory_space<hbm>>
      %dma_wait3A_32 = arith.constant 0 : i32
      %dma_wait3A_33 = tpu.memref_slice %arg9[%mul3A_17, %dma_wait3A_32] : memref<10240x128xf32, #tpu.memory_space<vmem_shared>> -> memref<640x128xf32, #tpu.memory_space<vmem_shared>>
      tpu.wait_dma2 semaphore(%run_scoped3A : memref<!tpu.dma_semaphore, #tpu.memory_space<semaphore_mem>>) src(%dma_wait3A_33 : memref<640x128xf32, #tpu.memory_space<vmem_shared>>) dst(%dma_wait3A_31 : memref<640x128xf32, #tpu.memory_space<hbm>>)
      tpu.yield
    }) : () -> ()
    return
  }
}

module attributes {stable_mosaic.version = 14 : i64} {
  func.func @_mm1_body(%arg0: i32, %arg1: memref<2000x128xf32, #tpu.memory_space<vmem>>, %arg2: memref<128x128xf32, #tpu.memory_space<vmem>>, %arg3: memref<2000x128xf32, #tpu.memory_space<vmem>>) attributes {dimension_semantics = [#tpu.dimension_semantics<arbitrary>], iteration_bounds = array<i64: 5>, scalar_prefetch = 0 : i64, scratch_operands = 0 : i64, tpu.core_type = #tpu.core_type<tc>, window_params = [{transform_indices = @transform_0, window_bounds = array<i64: 2000, 128>}, {pipeline_mode = #tpu.pipeline_mode<synchronous>, transform_indices = @transform_1, window_bounds = array<i64: 128, 128>}, {transform_indices = @transform_2, window_bounds = array<i64: 2000, 128>}]} {
    %get3A = arith.constant 0 : index
    %get3A_0 = arith.constant 0 : index
    %get3A_1 = vector.load %arg1[%get3A, %get3A_0] : memref<2000x128xf32, #tpu.memory_space<vmem>>, vector<2000x128xf32>
    %get3A_2 = arith.constant 0 : index
    %get3A_3 = arith.constant 0 : index
    %get3A_4 = vector.load %arg2[%get3A_2, %get3A_3] : memref<128x128xf32, #tpu.memory_space<vmem>>, vector<128x128xf32>
    %dot_general3A = arith.constant dense<0.000000e+00> : vector<2000x128xf32>
    %dot_general3A_5 = tpu.matmul %get3A_1, %get3A_4, %dot_general3A {dimension_numbers = #tpu.dot_dimension_numbers<[1], [0], [0], [1], [0, 0, 1, 1], [], []>, transpose_lhs_hint = false} : vector<2000x128xf32>, vector<128x128xf32>, vector<2000x128xf32> -> vector<2000x128xf32>
    %swap3A = arith.constant 0 : index
    %swap3A_6 = arith.constant 0 : index
    %swap3A_7 = vector.load %arg3[%swap3A, %swap3A_6] : memref<2000x128xf32, #tpu.memory_space<vmem>>, vector<2000x128xf32>
    tpu.vector_store %arg3[%swap3A, %swap3A_6], %dot_general3A_5 {strides = array<i32>} : memref<2000x128xf32, #tpu.memory_space<vmem>>, vector<2000x128xf32>,
    return
  }
  func.func @transform_0(%arg0: i32) -> (i32, i32) {
    %c0_i32 = arith.constant 0 : i32
    %c0_i32_0 = arith.constant 0 : i32
    return %arg0, %c0_i32 : i32, i32
  }
  func.func @transform_1(%arg0: i32) -> (i32, i32) {
    %c0_i32 = arith.constant 0 : i32
    %c0_i32_0 = arith.constant 0 : i32
    %c0_i32_1 = arith.constant 0 : i32
    return %c0_i32, %c0_i32_0 : i32, i32
  }
  func.func @transform_2(%arg0: i32) -> (i32, i32) {
    %c0_i32 = arith.constant 0 : i32
    %c0_i32_0 = arith.constant 0 : i32
    return %arg0, %c0_i32 : i32, i32
  }
}

module attributes {stable_mosaic.version = 14 : i64} {
  func.func @_scale1_body(%arg0: i32, %arg1: memref<2000x128xf32, #tpu.memory_space<vmem>>, %arg2: memref<2000x32xf32, #tpu.memory_space<vmem>>, %arg3: memref<2000x128xf32, #tpu.memory_space<vmem>>, %arg4: memref<2000x1xf32, #tpu.memory_space<vmem>>) attributes {dimension_semantics = [#tpu.dimension_semantics<arbitrary>], iteration_bounds = array<i64: 5>, scalar_prefetch = 0 : i64, scratch_operands = 0 : i64, tpu.core_type = #tpu.core_type<tc>, window_params = [{transform_indices = @transform_0, window_bounds = array<i64: 2000, 128>}, {transform_indices = @transform_1, window_bounds = array<i64: 2000, 32>}, {transform_indices = @transform_2, window_bounds = array<i64: 2000, 128>}, {transform_indices = @transform_3, window_bounds = array<i64: 2000, 1>}]} {
    %get3A = arith.constant 0 : index
    %get3A_0 = arith.constant 0 : index
    %get3A_1 = vector.load %arg2[%get3A, %get3A_0] : memref<2000x32xf32, #tpu.memory_space<vmem>>, vector<2000x32xf32>
    %reduce_sum3A = arith.constant dense<0.000000e+00> : vector<2000xf32>
    %reduce_sum3A_2 = vector.multi_reduction <add>, %get3A_1, %reduce_sum3A [1] : vector<2000x32xf32> to vector<2000xf32>
    %broadcast_in_dim3A = vector.shape_cast %reduce_sum3A_2 : vector<2000xf32> to vector<2000x1xf32>
    %add3A = arith.constant 1.000000e+00 : f32
    %add3A_3 = vector.broadcast %add3A : f32 to vector<2000x1xf32>
    %add3A_4 = arith.addf %broadcast_in_dim3A, %add3A_3 : vector<2000x1xf32>
    %rsqrt3A = math.rsqrt %add3A_4 : vector<2000x1xf32>
    %swap3A = arith.constant 0 : index
    %swap3A_5 = arith.constant 0 : index
    %swap3A_6 = vector.load %arg4[%swap3A, %swap3A_5] : memref<2000x1xf32, #tpu.memory_space<vmem>>, vector<2000x1xf32>
    tpu.vector_store %arg4[%swap3A, %swap3A_5], %rsqrt3A {strides = array<i32>} : memref<2000x1xf32, #tpu.memory_space<vmem>>, vector<2000x1xf32>,
    %get3A_7 = arith.constant 0 : index
    %get3A_8 = arith.constant 0 : index
    %get3A_9 = vector.load %arg1[%get3A_7, %get3A_8] : memref<2000x128xf32, #tpu.memory_space<vmem>>, vector<2000x128xf32>
    %mul3A = vector.broadcast %rsqrt3A : vector<2000x1xf32> to vector<2000x128xf32>
    %mul3A_10 = arith.mulf %get3A_9, %mul3A : vector<2000x128xf32>
    %swap3A_11 = arith.constant 0 : index
    %swap3A_12 = arith.constant 0 : index
    %swap3A_13 = vector.load %arg3[%swap3A_11, %swap3A_12] : memref<2000x128xf32, #tpu.memory_space<vmem>>, vector<2000x128xf32>
    tpu.vector_store %arg3[%swap3A_11, %swap3A_12], %mul3A_10 {strides = array<i32>} : memref<2000x128xf32, #tpu.memory_space<vmem>>, vector<2000x128xf32>,
    return
  }
  func.func @transform_0(%arg0: i32) -> (i32, i32) {
    %c0_i32 = arith.constant 0 : i32
    %c0_i32_0 = arith.constant 0 : i32
    return %arg0, %c0_i32 : i32, i32
  }
  func.func @transform_1(%arg0: i32) -> (i32, i32) {
    %c0_i32 = arith.constant 0 : i32
    %c0_i32_0 = arith.constant 0 : i32
    return %arg0, %c0_i32 : i32, i32
  }
  func.func @transform_2(%arg0: i32) -> (i32, i32) {
    %c0_i32 = arith.constant 0 : i32
    %c0_i32_0 = arith.constant 0 : i32
    return %arg0, %c0_i32 : i32, i32
  }
  func.func @transform_3(%arg0: i32) -> (i32, i32) {
    %c0_i32 = arith.constant 0 : i32
    %c0_i32_0 = arith.constant 0 : i32
    return %arg0, %c0_i32 : i32, i32
  }
}

module attributes {stable_mosaic.version = 14 : i64} {
  func.func @_combine1_body(%arg0: i32, %arg1: memref<2000x128xf32, #tpu.memory_space<vmem>>, %arg2: memref<2000x128xf32, #tpu.memory_space<vmem>>, %arg3: memref<2000x128xf32, #tpu.memory_space<vmem>>, %arg4: memref<2000x1xf32, #tpu.memory_space<vmem>>, %arg5: memref<1x128xf32, #tpu.memory_space<vmem>>, %arg6: memref<2000x128xf32, #tpu.memory_space<vmem>>) attributes {dimension_semantics = [#tpu.dimension_semantics<arbitrary>], iteration_bounds = array<i64: 5>, scalar_prefetch = 0 : i64, scratch_operands = 0 : i64, tpu.core_type = #tpu.core_type<tc>, window_params = [{transform_indices = @transform_0, window_bounds = array<i64: 2000, 128>}, {transform_indices = @transform_1, window_bounds = array<i64: 2000, 128>}, {transform_indices = @transform_2, window_bounds = array<i64: 2000, 128>}, {transform_indices = @transform_3, window_bounds = array<i64: 2000, 1>}, {pipeline_mode = #tpu.pipeline_mode<synchronous>, transform_indices = @transform_4, window_bounds = array<i64: 1, 128>}, {transform_indices = @transform_5, window_bounds = array<i64: 2000, 128>}]} {
    %get3A = arith.constant 0 : index
    %get3A_0 = arith.constant 0 : index
    %get3A_1 = vector.load %arg4[%get3A, %get3A_0] : memref<2000x1xf32, #tpu.memory_space<vmem>>, vector<2000x1xf32>
    %get3A_2 = arith.constant 0 : index
    %get3A_3 = arith.constant 0 : index
    %get3A_4 = vector.load %arg1[%get3A_2, %get3A_3] : memref<2000x128xf32, #tpu.memory_space<vmem>>, vector<2000x128xf32>
    %get3A_5 = arith.constant 0 : index
    %get3A_6 = arith.constant 0 : index
    %get3A_7 = vector.load %arg2[%get3A_5, %get3A_6] : memref<2000x128xf32, #tpu.memory_space<vmem>>, vector<2000x128xf32>
    %add3A = arith.addf %get3A_4, %get3A_7 : vector<2000x128xf32>
    %get3A_8 = arith.constant 0 : index
    %get3A_9 = arith.constant 0 : index
    %get3A_10 = vector.load %arg3[%get3A_8, %get3A_9] : memref<2000x128xf32, #tpu.memory_space<vmem>>, vector<2000x128xf32>
    %add3A_11 = arith.addf %add3A, %get3A_10 : vector<2000x128xf32>
    %mul3A = vector.broadcast %get3A_1 : vector<2000x1xf32> to vector<2000x128xf32>
    %mul3A_12 = arith.mulf %add3A_11, %mul3A : vector<2000x128xf32>
    %get3A_13 = arith.constant 0 : index
    %get3A_14 = arith.constant 0 : index
    %get3A_15 = vector.load %arg5[%get3A_13, %get3A_14] : memref<1x128xf32, #tpu.memory_space<vmem>>, vector<1x128xf32>
    %add3A_16 = vector.broadcast %get3A_15 : vector<1x128xf32> to vector<2000x128xf32>
    %add3A_17 = arith.addf %mul3A_12, %add3A_16 : vector<2000x128xf32>
    %max3A = arith.constant 0.000000e+00 : f32
    %max3A_18 = vector.broadcast %max3A : f32 to vector<2000x128xf32>
    %max3A_19 = arith.maximumf %add3A_17, %max3A_18 : vector<2000x128xf32>
    %mul3A_20 = vector.broadcast %get3A_1 : vector<2000x1xf32> to vector<2000x128xf32>
    %mul3A_21 = arith.mulf %max3A_19, %mul3A_20 : vector<2000x128xf32>
    %swap3A = arith.constant 0 : index
    %swap3A_22 = arith.constant 0 : index
    %swap3A_23 = vector.load %arg6[%swap3A, %swap3A_22] : memref<2000x128xf32, #tpu.memory_space<vmem>>, vector<2000x128xf32>
    tpu.vector_store %arg6[%swap3A, %swap3A_22], %mul3A_21 {strides = array<i32>} : memref<2000x128xf32, #tpu.memory_space<vmem>>, vector<2000x128xf32>,
    return
  }
  func.func @transform_0(%arg0: i32) -> (i32, i32) {
    %c0_i32 = arith.constant 0 : i32
    %c0_i32_0 = arith.constant 0 : i32
    return %arg0, %c0_i32 : i32, i32
  }
  func.func @transform_1(%arg0: i32) -> (i32, i32) {
    %c0_i32 = arith.constant 0 : i32
    %c0_i32_0 = arith.constant 0 : i32
    return %arg0, %c0_i32 : i32, i32
  }
  func.func @transform_2(%arg0: i32) -> (i32, i32) {
    %c0_i32 = arith.constant 0 : i32
    %c0_i32_0 = arith.constant 0 : i32
    return %arg0, %c0_i32 : i32, i32
  }
  func.func @transform_3(%arg0: i32) -> (i32, i32) {
    %c0_i32 = arith.constant 0 : i32
    %c0_i32_0 = arith.constant 0 : i32
    return %arg0, %c0_i32 : i32, i32
  }
  func.func @transform_4(%arg0: i32) -> (i32, i32) {
    %c0_i32 = arith.constant 0 : i32
    %c0_i32_0 = arith.constant 0 : i32
    %c0_i32_1 = arith.constant 0 : i32
    return %c0_i32, %c0_i32_0 : i32, i32
  }
  func.func @transform_5(%arg0: i32) -> (i32, i32) {
    %c0_i32 = arith.constant 0 : i32
    %c0_i32_0 = arith.constant 0 : i32
    return %arg0, %c0_i32 : i32, i32
  }
}

module attributes {stable_mosaic.version = 14 : i64} {
  func.func @_final_body(%arg0: i32, %arg1: memref<2000x128xf32, #tpu.memory_space<vmem>>, %arg2: memref<2000x128xf32, #tpu.memory_space<vmem>>, %arg3: memref<2000x128xf32, #tpu.memory_space<vmem>>, %arg4: memref<2000x1xf32, #tpu.memory_space<vmem>>, %arg5: memref<128x16xf32, #tpu.memory_space<vmem>>, %arg6: memref<1x16xf32, #tpu.memory_space<vmem>>, %arg7: memref<2000x16xf32, #tpu.memory_space<vmem>>) attributes {dimension_semantics = [#tpu.dimension_semantics<arbitrary>], iteration_bounds = array<i64: 5>, scalar_prefetch = 0 : i64, scratch_operands = 0 : i64, tpu.core_type = #tpu.core_type<tc>, window_params = [{transform_indices = @transform_0, window_bounds = array<i64: 2000, 128>}, {transform_indices = @transform_1, window_bounds = array<i64: 2000, 128>}, {transform_indices = @transform_2, window_bounds = array<i64: 2000, 128>}, {transform_indices = @transform_3, window_bounds = array<i64: 2000, 1>}, {pipeline_mode = #tpu.pipeline_mode<synchronous>, transform_indices = @transform_4, window_bounds = array<i64: 128, 16>}, {pipeline_mode = #tpu.pipeline_mode<synchronous>, transform_indices = @transform_5, window_bounds = array<i64: 1, 16>}, {transform_indices = @transform_6, window_bounds = array<i64: 2000, 16>}]} {
    %get3A = arith.constant 0 : index
    %get3A_0 = arith.constant 0 : index
    %get3A_1 = vector.load %arg1[%get3A, %get3A_0] : memref<2000x128xf32, #tpu.memory_space<vmem>>, vector<2000x128xf32>
    %get3A_2 = arith.constant 0 : index
    %get3A_3 = arith.constant 0 : index
    %get3A_4 = vector.load %arg2[%get3A_2, %get3A_3] : memref<2000x128xf32, #tpu.memory_space<vmem>>, vector<2000x128xf32>
    %add3A = arith.addf %get3A_1, %get3A_4 : vector<2000x128xf32>
    %get3A_5 = arith.constant 0 : index
    %get3A_6 = arith.constant 0 : index
    %get3A_7 = vector.load %arg3[%get3A_5, %get3A_6] : memref<2000x128xf32, #tpu.memory_space<vmem>>, vector<2000x128xf32>
    %add3A_8 = arith.addf %add3A, %get3A_7 : vector<2000x128xf32>
    %get3A_9 = arith.constant 0 : index
    %get3A_10 = arith.constant 0 : index
    %get3A_11 = vector.load %arg4[%get3A_9, %get3A_10] : memref<2000x1xf32, #tpu.memory_space<vmem>>, vector<2000x1xf32>
    %mul3A = vector.broadcast %get3A_11 : vector<2000x1xf32> to vector<2000x128xf32>
    %mul3A_12 = arith.mulf %add3A_8, %mul3A : vector<2000x128xf32>
    %get3A_13 = arith.constant 0 : index
    %get3A_14 = arith.constant 0 : index
    %get3A_15 = vector.load %arg5[%get3A_13, %get3A_14] : memref<128x16xf32, #tpu.memory_space<vmem>>, vector<128x16xf32>
    %dot_general3A = arith.constant dense<0.000000e+00> : vector<2000x16xf32>
    %dot_general3A_16 = tpu.matmul %mul3A_12, %get3A_15, %dot_general3A {dimension_numbers = #tpu.dot_dimension_numbers<[1], [0], [0], [1], [0, 0, 1, 1], [], []>, transpose_lhs_hint = false} : vector<2000x128xf32>, vector<128x16xf32>, vector<2000x16xf32> -> vector<2000x16xf32>
    %get3A_17 = arith.constant 0 : index
    %get3A_18 = arith.constant 0 : index
    %get3A_19 = vector.load %arg6[%get3A_17, %get3A_18] : memref<1x16xf32, #tpu.memory_space<vmem>>, vector<1x16xf32>
    %add3A_20 = vector.broadcast %get3A_19 : vector<1x16xf32> to vector<2000x16xf32>
    %add3A_21 = arith.addf %dot_general3A_16, %add3A_20 : vector<2000x16xf32>
    %iota3A = tpu.iota {dimensions = array<i32: 1>} : vector<2000x16xi32>
    %lt3A = arith.constant 7 : i32
    %lt3A_22 = vector.broadcast %lt3A : i32 to vector<2000x16xi32>
    %lt3A_23 = arith.cmpi slt, %iota3A, %lt3A_22 : vector<2000x16xi32>
    %jit3A = arith.constant 0xFF800000 : f32
    %broadcast_in_dim3A = vector.broadcast %jit3A : f32 to vector<2000x16xf32>
    %select_n3A = arith.select %lt3A_23, %add3A_21, %broadcast_in_dim3A : vector<2000x16xi1>, vector<2000x16xf32>
    %reduce_max3A = arith.constant dense<0xFF800000> : vector<2000xf32>
    %reduce_max3A_24 = vector.multi_reduction <maximumf>, %select_n3A, %reduce_max3A [1] : vector<2000x16xf32> to vector<2000xf32>
    %broadcast_in_dim3A_25 = vector.shape_cast %reduce_max3A_24 : vector<2000xf32> to vector<2000x1xf32>
    %sub3A = vector.broadcast %broadcast_in_dim3A_25 : vector<2000x1xf32> to vector<2000x16xf32>
    %sub3A_26 = arith.subf %select_n3A, %sub3A : vector<2000x16xf32>
    %exp3A = math.exp %sub3A_26 : vector<2000x16xf32>
    %reduce_sum3A = arith.constant dense<0.000000e+00> : vector<2000xf32>
    %reduce_sum3A_27 = vector.multi_reduction <add>, %exp3A, %reduce_sum3A [1] : vector<2000x16xf32> to vector<2000xf32>
    %broadcast_in_dim3A_28 = vector.shape_cast %reduce_sum3A_27 : vector<2000xf32> to vector<2000x1xf32>
    %log3A = math.log %broadcast_in_dim3A_28 : vector<2000x1xf32>
    %add3A_29 = arith.addf %log3A, %broadcast_in_dim3A_25 : vector<2000x1xf32>
    %sub3A_30 = vector.broadcast %add3A_29 : vector<2000x1xf32> to vector<2000x16xf32>
    %sub3A_31 = arith.subf %select_n3A, %sub3A_30 : vector<2000x16xf32>
    %swap3A = arith.constant 0 : index
    %swap3A_32 = arith.constant 0 : index
    %swap3A_33 = vector.load %arg7[%swap3A, %swap3A_32] : memref<2000x16xf32, #tpu.memory_space<vmem>>, vector<2000x16xf32>
    tpu.vector_store %arg7[%swap3A, %swap3A_32], %sub3A_31 {strides = array<i32>} : memref<2000x16xf32, #tpu.memory_space<vmem>>, vector<2000x16xf32>,
    return
  }
  func.func @transform_0(%arg0: i32) -> (i32, i32) {
    %c0_i32 = arith.constant 0 : i32
    %c0_i32_0 = arith.constant 0 : i32
    return %arg0, %c0_i32 : i32, i32
  }
  func.func @transform_1(%arg0: i32) -> (i32, i32) {
    %c0_i32 = arith.constant 0 : i32
    %c0_i32_0 = arith.constant 0 : i32
    return %arg0, %c0_i32 : i32, i32
  }
  func.func @transform_2(%arg0: i32) -> (i32, i32) {
    %c0_i32 = arith.constant 0 : i32
    %c0_i32_0 = arith.constant 0 : i32
    return %arg0, %c0_i32 : i32, i32
  }
  func.func @transform_3(%arg0: i32) -> (i32, i32) {
    %c0_i32 = arith.constant 0 : i32
    %c0_i32_0 = arith.constant 0 : i32
    return %arg0, %c0_i32 : i32, i32
  }
  func.func @transform_4(%arg0: i32) -> (i32, i32) {
    %c0_i32 = arith.constant 0 : i32
    %c0_i32_0 = arith.constant 0 : i32
    %c0_i32_1 = arith.constant 0 : i32
    return %c0_i32, %c0_i32_0 : i32, i32
  }
  func.func @transform_5(%arg0: i32) -> (i32, i32) {
    %c0_i32 = arith.constant 0 : i32
    %c0_i32_0 = arith.constant 0 : i32
    %c0_i32_1 = arith.constant 0 : i32
    return %c0_i32, %c0_i32_0 : i32, i32
  }
  func.func @transform_6(%arg0: i32) -> (i32, i32) {
    %c0_i32 = arith.constant 0 : i32
    %c0_i32_0 = arith.constant 0 : i32
    return %arg0, %c0_i32 : i32, i32
  }
}

</mosaic_0001>

<sc_bundles>
// kernel: kernel.12.cloned.1.call-start
scs
__scs_entry_jumppad:
0x0: {  	(pc) =	sbr.rel $0x88, $3  }
0x1: {  	(tag) =	ssettag $0x0;
	lr =	simm.s32 $0x1  }
0x2: {  	[smem:$0x3F9B] =	sst lr;
	_ =	strace $0xD0000000  }
0x3: {  	_ = 	snop  }
0x4: {  	_ = 	snop  }
0x5: {  	_ = 	snop  }
0x6: {  	_ = 	snop  }
0x7: {  	_ = 	snop  }
__scs_overlays_trampoline_lowered:
0x8: {  	[smem:$0x3FAA] =	sst s0  }
0x9: {  	[smem:$0x3FAB] =	sst s1  }
0xa: {  	[smem:$0x3FAC] =	sst s2  }
0xb: {  	[smem:$0x3FAD] =	sst s3  }
0xc: {  	[smem:$0x3FAE] =	sst s4  }
0xd: {  	[smem:$0x3FAF] =	sst s5  }
0xe: {  	[smem:$0x3FB0] =	sst s6  }
0xf: {  	[smem:$0x3FB1] =	sst s7  }
0x10: {  	[smem:$0x3FB2] =	sst s8  }
0x11: {  	[smem:$0x3FB3] =	sst s9;
	s0 =	simm.s32 @!p0 $0x0  }
0x12: {  	s1 =	sld [smem:$0x3F99];
	s0 =	simm.s32 @p0 $0x1  }
0x13: {  	[smem:$0x3FB4] =	sst s0;
	s0 =	simm.s32 @!p1 $0x0  }
0x14: {  	s2 =	sld [smem:$0x3F98];
	s0 =	simm.s32 @p1 $0x1  }
0x15: {  	[smem:$0x3FB5] =	sst s0;
	s0 =	simm.s32 @!p2 $0x0  }
0x16: {  	s3 =	sld [smem:$0x3FDB];
	s0 =	simm.s32 @p2 $0x1  }
0x17: {  	s4 =	simm.s32 $0x1BF5;
	[smem:$0x3FB7] =	sst s0  }
0x18: {  	s0 =	sld [smem:$0x3F9A];
	_ =	swait.ge [sflag:s4], $0x0  }
0x19: {  	s7 =	sld [smem:$0x3F9B]  }
0x1a: {  	s8 =	sadd.s32 $0xFFFFE003, lr  }
0x1b: {  	s9 =	sadd.s32 $0xFFFFFEF7, lr;
	s5 =	simm.s32 $0xFFFFFFFF;
	p2 =	slt.u32 s8, $0xFFFFF086  }
0x1c: {  	p1 =	slt.u32 s9, $0xF7A;
	s5 =	simm.s32 @!p2 $0x0  }
0x1d: {  	s5 =	simm.s32 @p1 $0x1;
	p0 =	seq.s32 s7, s2  }
0x1e: {  	s7 =	smul.u32 @!p0 $0xF7A, s2;
	p2 =	seq.s32 @!p0 s5, $0x0  }
0x1f: {  	s9 =	smul.u32 $0xF7A, s1;
	s8 =	simm.s32 @!p0 $0x1BF5;
	p2 =	por !p2, p0  }
0x20: {  	[sflag:s8] =	ssyncset.s32 @!p0 $0xFFFFF086;
	s6 =	sadd.s32 @!p0 s3, s7;
	s7 =	simm.s32 @!p0 $0x108  }
0x21: {  	s3 =	sadd.s32 s3, s9;
	s6 =	sadd.s32 @!p0 $0x88, s6;
	s7 =	simm.s32 @p2 $0x1082  }
0x22: {  	[simem:s7], [sflag:s8] =	dma.local @!p0 [hbm:s6], $0xF7A  }
0x23: {  	s9 =	sor.u32 $0xD0000000, s2;
	s6 =	simm.s32 $0x108;
	_ =	swait.ge @!p0 [sflag:s8], $0x0  }
0x24: {  	s3 =	sadd.s32 $0x88, s3;
	s6 =	simm.s32 @!p1 $0x1082;
	[sflag:s4] =	ssyncset.s32 $0xFFFFF086  }
0x25: {  	[simem:s6], [sflag:s4] =	dma.local [hbm:s3], $0xF7A  }
0x26: {  	[smem:$0x3F9B] =	sst s1;
	(tag) =	ssettag s2;
	_ =	strace s9  }
0x27: {  	s1 =	sld [smem:$0x3FAB]  }
0x28: {  	s2 =	sld [smem:$0x3FAC]  }
0x29: {  	s4 =	sld [smem:$0x3FAE]  }
0x2a: {  	p0 =	seq.s32 s5, $0x0;
	s5 =	sld [smem:$0x3FAF]  }
0x2b: {  	s6 =	sld [smem:$0x3FB0]  }
0x2c: {  	s7 =	sld [smem:$0x3FB1]  }
0x2d: {  	s3 =	simm.s32 $0x108;
	s8 =	sld [smem:$0x3FB2]  }
0x2e: {  	s3 =	simm.s32 @!p0 $0x1082;
	s9 =	sld [smem:$0x3FB3]  }
0x2f: {  	lr =	sadd.s32 s0, s3;
	s0 =	sld [smem:$0x3FAA]  }
0x30: {  	s3 =	sld [smem:$0x3FAD]  }
0x31: {  	[smem:$0x3FB6] =	sst s10  }
0x32: {  	s10 =	sld [smem:$0x3FB4];
	_ =	sdelay $0x3  }
0x33: {  	p0 =	seq.s32 s10, $0x1;
	s10 =	sld [smem:$0x3FB6];
	_ =	sdelay $0x3  }
0x34: {  	[smem:$0x3FB6] =	sst s10  }
0x35: {  	s10 =	sld [smem:$0x3FB5];
	_ =	sdelay $0x3  }
0x36: {  	p1 =	seq.s32 s10, $0x1;
	s10 =	sld [smem:$0x3FB6];
	_ =	sdelay $0x3  }
0x37: {  	[smem:$0x3FB6] =	sst s10  }
0x38: {  	s10 =	sld [smem:$0x3FB7]  }
0x39: {  	_ = 	snop;
	(pc) =	sbr.ind lr, $3  }
0x3a: {  	_ = 	snop  }
0x3b: {  	_ = 	snop  }
0x3c: {  	p2 =	seq.s32 s10, $0x1;
	s10 =	sld [smem:$0x3FB6]  }
0x3d: {  	_ =	shalt  }
0x3e: {  	_ =	shalt  }
0x3f: {  	_ =	shalt  }
0x40: {  	_ =	shalt  }
0x41: {  	_ =	shalt  }
0x42: {  	_ =	shalt  }
0x43: {  	_ =	shalt  }
0x44: {  	_ =	shalt  }
0x45: {  	_ =	shalt  }
0x46: {  	_ =	shalt  }
0x47: {  	_ =	shalt  }
0x48: {  	_ =	shalt  }
0x49: {  	_ =	shalt  }
0x4a: {  	_ =	shalt  }
0x4b: {  	_ =	shalt  }
0x4c: {  	_ =	shalt  }
0x4d: {  	_ =	shalt  }
0x4e: {  	_ =	shalt  }
0x4f: {  	_ =	shalt  }
0x50: {  	_ =	shalt  }
0x51: {  	_ =	shalt  }
0x52: {  	_ =	shalt  }
0x53: {  	_ =	shalt  }
0x54: {  	_ =	shalt  }
0x55: {  	_ =	shalt  }
0x56: {  	_ =	shalt  }
0x57: {  	_ =	shalt  }
0x58: {  	_ =	shalt  }
0x59: {  	_ =	shalt  }
0x5a: {  	_ =	shalt  }
0x5b: {  	_ =	shalt  }
0x5c: {  	_ =	shalt  }
0x5d: {  	_ =	shalt  }
0x5e: {  	_ =	shalt  }
0x5f: {  	_ =	shalt  }
0x60: {  	_ =	shalt  }
0x61: {  	_ =	shalt  }
0x62: {  	_ =	shalt  }
0x63: {  	_ =	shalt  }
0x64: {  	_ =	shalt  }
0x65: {  	_ =	shalt  }
0x66: {  	_ =	shalt  }
0x67: {  	_ =	shalt  }
0x68: {  	_ =	shalt  }
0x69: {  	_ =	shalt  }
0x6a: {  	_ =	shalt  }
0x6b: {  	_ =	shalt  }
0x6c: {  	_ =	shalt  }
0x6d: {  	_ =	shalt  }
0x6e: {  	_ =	shalt  }
0x6f: {  	_ =	shalt  }
0x70: {  	_ =	shalt  }
0x71: {  	_ =	shalt  }
0x72: {  	_ =	shalt  }
0x73: {  	_ =	shalt  }
0x74: {  	_ =	shalt  }
0x75: {  	_ =	shalt  }
0x76: {  	_ =	shalt  }
0x77: {  	_ =	shalt  }
0x78: {  	_ =	shalt  }
0x79: {  	_ =	shalt  }
0x7a: {  	_ =	shalt  }
0x7b: {  	_ =	shalt  }
0x7c: {  	_ =	shalt  }
0x7d: {  	_ =	shalt  }
0x7e: {  	_ =	shalt  }
0x7f: {  	_ =	shalt  }
0x80: {  	_ =	shalt  }
0x81: {  	_ =	shalt  }
0x82: {  	_ =	shalt  }
0x83: {  	_ =	shalt  }
0x84: {  	_ =	shalt  }
0x85: {  	_ =	shalt  }
0x86: {  	_ =	shalt  }
0x87: {  	_ =	shalt  }
.Lfunc_end0:
.L_simem_size_0:
called_computation.1_lowered:
.L_overlay_start_0:
0x88: {  	s2 =	sld [smem:$0x3FD9]  }
0x89: {  	s3 =	sld [smem:$0x3FFE];
	_ =	sdelay $0x1  }
0x8a: {  	s1 =	srdreg.scid  }
0x8b: {  	s0 =	sand.u32 $0x1, s1  }
0x8c: {  	s16 =	sshll.u32 s0, $0xA;
	s2 =	sadd.s32 s3, s2  }
0x8d: {  	s2 =	sadd.s32 s2, s16  }
0x8e: {  	[smem:$0x3FC2] =	sst s2  }
0x8f: {  	_ = 	snop  }
0x90: {  	(tm) =	ssettm $0x1  }
0x91: {  	s17 =	sld [smem:$0x3FFB];
	_ =	sdelay $0x3  }
0x92: {  	_ =	strace s17  }
0x93: {  	s2 =	sld [smem:$0x3FFC];
	_ =	sdelay $0x3  }
0x94: {  	_ =	strace s2  }
0x95: {  	s2 =	sld [smem:$0x3FFD];
	_ =	sdelay $0x3  }
0x96: {  	_ =	strace s2  }
0x97: {  	_ =	strace $0x8FFFFFFF  }
0x98: {  	s18 =	sld [smem:$0x3FDB];
	_ =	sdelay $0x1  }
0x99: {  	s19 =	simm.s32 $_scs_section_size  }
0x9a: {  	s4 =	simm.s32 $_size__tile_overlayer_lowered;
	s5 =	simm.s32 $_tile_overlayer_lowered  }
0x9b: {  	s22 =	simm.s32 $0x1BFF;
	s21 =	sshll.u32 s5, $0x1;
	s2 =	sadd.s32 s19, s18  }
0x9c: {  	s6 =	simm.s32 $0x0;
	s20 =	sshll.u32 s4, $0x1;
	s4 =	sadd.s32 s21, s2  }
0x9d: {  	[timem:s6], [sflag:s22] =	dma.local [hbm:s4], s20  }
0x9e: {  	_ =	swait.ge [sflag:s22], s20  }
0x9f: {  	s3 =	ssub.s32 $0x0, s20;
	[sflag:s22] =	ssyncset.done $0x0  }
0xa0: {  	[sflag:s22] =	ssyncadd.s32 s3;
	_ =	sdelay $0x1  }
0xa1: {  	s23 =	simm.s32 $0x1B8B  }
0xa2: {  	_ =	swait.ge [sflag:s23], $0x1  }
0xa3: {  	[sflag:s23] =	ssyncset.done $0x0  }
0xa4: {  	s25 =	simm.s32 $0x1B8E;
	s24 =	sld [smem:$0x3FFE];
	[sflag:s23] =	ssyncadd.s32 $0xFFFFFFFF  }
0xa5: {  	s26 =	simm.s32 $execute0_lowered;
	[smem:$0x3FD2] =	sst s25  }
0xa6: {  	s4 =	sshll.u32 s26, $0x1;
	_ =	strace $0x80000049;
	[dreg:$0x1] =	wrdreg $0xFFFFFFFF  }
0xa7: {  	s28 =	simm.s32 $_size_execute0_lowered;
	s2 =	sadd.s32 s2, s4;
	[dreg:$0x0] =	wrdreg $0x0  }
0xa8: {  	s4 =	sshll.u32 s28, $0x1;
	[dreg:$0x2] =	wrdreg s2  }
0xa9: {  	[dreg:$0x3] =	wrdreg s4  }
0xaa: {  	[dreg:$0x4] =	wrdreg $0xC0  }
0xab: {  	_ =	task [dreg:s6], $0x5FFFF  }
0xac: {  	[dreg:$0x1] =	wrdreg $0xFFFFFFFF  }
0xad: {  	[dreg:$0x0] =	wrdreg $0x60  }
0xae: {  	[dreg:$0x2] =	wrdreg s24  }
0xaf: {  	[dreg:$0x3] =	wrdreg $0x90000  }
0xb0: {  	[dreg:$0x4] =	wrdreg $0x9  }
0xb1: {  	_ =	task.clear_ibuf [dreg:s6], $0x5FFFF;
	_ =	strace $0x90000049  }
0xb2: {  	s29 =	simm.s32 $0x9;
	_ =	strace $0x8000004B  }
0xb3: {  	_ =	swait.ge [sflag:s29], $0x1  }
0xb4: {  	[sflag:s29] =	ssyncadd.s32 $0xFFFFFFFF  }
0xb5: {  	_ =	strace $0x9000004B  }
0xb6: {  	_ =	sfence  }
0xb7: {  	s30 =	sld [smem:$0x0];
	_ =	sdelay $0x2  }
0xb8: {  	s31 =	sshll.u32 s1, $0xD;
	s1 =	sshrl.u32 s1, $0x2  }
0xb9: {  	s3 =	sand.u32 $0x4000, s31;
	s1 =	sadd.s32 s1, s30  }
0xba: {  	s0 =	sor.u32 s3, s0;
	s1 =	sshll.u32 s1, $0x11  }
0xbb: {  	s0 =	sor.u32 s1, s0  }
0xbc: {  	s0 =	sadd.s32 $0x8F2B, s0  }
0xbd: {  	[sflag:s0] =	ssyncadd.remote.s32 $0x1  }
0xbe: {  	_ =	sfence.sel $0xFFFF  }
0xbf: {  	[dreg:$0x0] =	wrdreg $0xFFFFFFFF;
	(pc) =	sbr.abs _section_cstart, $3  }
0xc0: {  	[dreg:$0x1] =	wrdreg $0xFFFFFFFF  }
0xc1: {  	_ =	task.clear_ibuf [dreg:s6], $0x2FFFF;
	_ =	strace $0x9FFFFFFF  }
0xc2: {  	(tm) =	ssettm $0x7FFFFFFF  }
0xc3: {  	_ =	shalt  }
tec
execute0_lowered:
.L_overlay_start_1:
0x0: {  	(tag) =	ssettag $0x1  }
0x1: {  	s1 =	srdreg.scid  }
0x2: {  	s0 =	stileid.u32;
	s5 =	rddreg [dreg:$0x0]  }
0x3: {  	s2 =	rddreg [dreg:$0x1];
	s3 =	simm.s32 $0x0;
	s13 =	simm.s32 $0x5000  }
0x4: {  	s14 =	simm.s32 $0x1;
	s15 =	simm.s32 $0x2800;
	s16 =	simm.s32 $0x80  }
0x5: {  	s4 =	sand.u32 $0x1, s1;
	s1 =	rddreg [dreg:$0x2];
	s9 =	smul.u32 $0x50000, s0  }
0x6: {  	s29 =	sshll.u32 s0, $0x1;
	[smem:$0x7FF] =	sst s3;
	s18 =	smul.u32 $0x2800, s0  }
0x7: {  	s19 =	sshll.u32 s0, $0x6;
	s6 =	sor.u32 s4, s29;
	s7 =	smul.u32 $0x28000, s4  }
0x8: {  	_ =	strace $0x8000004A;
	s8 =	ssub.s32 $0x2, s4;
	s6 =	smul.u32 $0x500, s6  }
0x9: {  	s4 =	sadd.s32 $0x20A00, s5;
	s30 =	sshrl.u32 s8, $0x1;
	s31 =	sshrl.u32 s9, $0x2  }
0xa: {  	s11 =	sadd.s32 s7, s5;
	s8 =	ssub.s32 s8, s30;
	s10 =	sadd.s32 s6, s5  }
0xb: {  	s5 =	sadd.s32 s31, s2;
	s17 =	sadd.s32 $0x6EE00, s11;
	s8 =	smax.u32 s8, $0x1  }
0xc: {  	s6 =	sadd.s32 $0x16A00, s10;
	s7 =	sadd.s32 $0x2A00, s10;
	s9 =	sadd.s32 $0x4000, s5  }
0xd: {  	s10 =	sadd.s32 $0x8000, s5;
	s11 =	sadd.s32 $0xC000, s5;
	s12 =	sadd.s32 $0x10000, s5  }
0xe: {  	v0 =	vimm.f32 $0.0e+00;
	s17 =	sadd.s32 s18, s17;
	s18 =	sor.u32 $0x1C01, s19;
	s19 =	sshrl.u32 s5, $0x3  }
.LBB2_1:
0xf: {  	s20 =	simm.s32 $0x0;
	s21 =	simm.s32 $0x200  }
.LBB2_2:
0x10: {  	p0 =	sne.s32 s21, $0xFE00;
	[tilespmem:s20+$0x5070] =	vst v0  }
0x11: {  	[tilespmem:s20+$0x5000] =	vst v0  }
0x12: {  	[tilespmem:s20+$0x5010] =	vst v0  }
.Ltmp0:
0x13: {  	[tilespmem:s20+$0x5020] =	vst v0;
	(pc) =	sbr.rel @p0 .LBB2_2-.Ltmp0, $4  }
0x14: {  	[tilespmem:s20+$0x5030] =	vst v0  }
0x15: {  	[tilespmem:s20+$0x5040] =	vst v0  }
0x16: {  	[tilespmem:s20+$0x5050] =	vst v0  }
0x17: {  	[tilespmem:s20+$0x5060] =	vst v0;
	s20 =	sshra.s32 s21, $0x2;
	s21 =	sadd.s32 $0x200, s21  }
0x18: {  	[tilespmem:s20+$0x5070] =	vst v0  }
0x19: {  	[tilespmem:s20+$0x5000] =	vst v0  }
0x1a: {  	[tilespmem:s20+$0x5010] =	vst v0  }
0x1b: {  	[tilespmem:s20+$0x5020] =	vst v0  }
0x1c: {  	[tilespmem:s20+$0x5030] =	vst v0  }
0x1d: {  	[tilespmem:s20+$0x5040] =	vst v0  }
0x1e: {  	[tilespmem:s20+$0x5050] =	vst v0  }
0x1f: {  	[tilespmem:s20+$0x5060] =	vst v0  }
0x20: {  	[spmem:s5] =	stream.linear.scatter [tilespmem:s13], [sflag:$0x1], $0x4000, $0x38;
	[tilespmem:$0x1D000] =	vst v63  }
0x21: {  	_ =	swait.ge [sflag:s14], $0x4000  }
0x22: {  	[sflag:s14] =	ssyncset.done $0x0  }
0x23: {  	[sflag:s14] =	ssyncadd.s32 $0xFFFFC000  }
0x24: {  	[spmem:s9] =	stream.linear.scatter [tilespmem:s13], [sflag:$0x1], $0x4000, $0x38;
	[tilespmem:$0x1D000] =	vst v63  }
0x25: {  	_ =	swait.ge [sflag:s14], $0x4000  }
0x26: {  	[sflag:s14] =	ssyncset.done $0x0  }
0x27: {  	[sflag:s14] =	ssyncadd.s32 $0xFFFFC000  }
0x28: {  	[spmem:s10] =	stream.linear.scatter [tilespmem:s13], [sflag:$0x1], $0x4000, $0x38;
	[tilespmem:$0x1D000] =	vst v63  }
0x29: {  	_ =	swait.ge [sflag:s14], $0x4000  }
0x2a: {  	[sflag:s14] =	ssyncset.done $0x0  }
0x2b: {  	[sflag:s14] =	ssyncadd.s32 $0xFFFFC000  }
0x2c: {  	[spmem:s11] =	stream.linear.scatter [tilespmem:s13], [sflag:$0x1], $0x4000, $0x38;
	[tilespmem:$0x1D000] =	vst v63  }
0x2d: {  	_ =	swait.ge [sflag:s14], $0x4000  }
0x2e: {  	[sflag:s14] =	ssyncset.done $0x0  }
0x2f: {  	[sflag:s14] =	ssyncadd.s32 $0xFFFFC000  }
0x30: {  	[spmem:s12] =	stream.linear.scatter [tilespmem:s13], [sflag:$0x1], $0x4000, $0x38;
	[tilespmem:$0x1D000] =	vst v63  }
0x31: {  	_ =	swait.ge [sflag:s14], $0x4000  }
0x32: {  	[sflag:s14] =	ssyncset.done $0x0  }
0x33: {  	s29 =	simm.s32 $0x0;
	[sflag:s14] =	ssyncadd.s32 $0xFFFFC000  }
0x34: {  	[tilespmem:s29], [sflag:$0x1] =	stream.linear.gather [hbm4b:s6+s29], $0x2780, $0x38;
	[tilespmem:$0x1D000] =	vst v63  }
0x35: {  	_ =	swait.ge [sflag:s14], $0x2780  }
0x36: {  	[sflag:s14] =	ssyncset.done $0x0  }
0x37: {  	[sflag:s14] =	ssyncadd.s32 $0xFFFFD880  }
0x38: {  	[tilespmem:s15], [sflag:$0x1] =	stream.linear.gather [hbm4b:s7+s29], $0x2780, $0x38;
	[tilespmem:$0x1D000] =	vst v63  }
0x39: {  	_ =	swait.ge [sflag:s14], $0x2780  }
0x3a: {  	[sflag:s14] =	ssyncset.done $0x0  }
0x3b: {  	[sflag:s14] =	ssyncadd.s32 $0xFFFFD880  }
0x3c: {  	s30 =	simm.s32 $0x0;
	[bflag:$0x0] =	sbarrier.arrive $0xFFFF  }
0x3d: {  	[tilespmem:s13], [sflag:$0x1] =	stream.indirect.gather [hbm4b:s4+s16], $0x80, s30, s16, $0xb8;
	[tilespmem:$0x1D000] =	vst v63  }
0x3e: {  	_ =	swait.ge [sflag:s14], $0x4000  }
0x3f: {  	[sflag:s14] =	ssyncset.done $0x0  }
0x40: {  	s31 =	simm.s32 $0x2800;
	[sflag:s14] =	ssyncadd.s32 $0xFFFFC000  }
0x41: {  	[spmem:s2] =	stream.indirect.scatter.add.f32 [tilespmem:s13], [sflag:$0x1], $0x80, s31, s16, $0xb8;
	[tilespmem:$0x1D000] =	vst v63  }
0x42: {  	_ =	swait.ge [sflag:s14], $0x4000  }
0x43: {  	s20 =	simm.s32 $0x200;
	s21 =	simm.s32 $0x400;
	[sflag:s14] =	ssyncset.done $0x0  }
.LBB2_4:
0x44: {  	s22 =	sshra.s32 s20, $0x2  }
0x45: {  	[sflag:s14] =	ssyncadd.s32 $0xFFFFC000;
	s20 =	smov.u32 s21;
	s23 =	sadd.s32 $0x200, s21  }
0x46: {  	[tilespmem:s13], [sflag:$0x1] =	stream.indirect.gather [hbm4b:s4+s16], $0x80, s22, s16, $0xb8;
	[tilespmem:$0x1D000] =	vst v63  }
0x47: {  	p0 =	sne.s32 s21, $0x9C00;
	_ =	swait.ge [sflag:s14], $0x4000  }
.Ltmp1:
0x48: {  	[sflag:s14] =	ssyncset.done $0x0;
	(pc) =	sbr.rel @p0 .LBB2_4-.Ltmp1, $4  }
0x49: {  	s21 =	sadd.s32 $0x2800, s22;
	[sflag:s14] =	ssyncadd.s32 $0xFFFFC000  }
0x4a: {  	[spmem:s2] =	stream.indirect.scatter.add.f32 [tilespmem:s13], [sflag:$0x1], $0x80, s21, s16, $0xb8;
	[tilespmem:$0x1D000] =	vst v63  }
0x4b: {  	_ =	swait.ge [sflag:s14], $0x4000  }
0x4c: {  	s21 =	smov.u32 s23;
	[sflag:s14] =	ssyncset.done $0x0  }
0x4d: {  	s20 =	sshra.s32 s20, $0x2;
	[sflag:s14] =	ssyncadd.s32 $0xFFFFC000  }
0x4e: {  	[tilespmem:s13], [sflag:$0x1] =	stream.indirect.gather [hbm4b:s4+s16], $0x80, s20, s16, $0xb8;
	[tilespmem:$0x1D000] =	vst v63  }
0x4f: {  	_ =	swait.ge [sflag:s14], $0x4000  }
0x50: {  	[sflag:s14] =	ssyncset.done $0x0  }
0x51: {  	s20 =	sadd.s32 $0x2800, s20;
	[sflag:s14] =	ssyncadd.s32 $0xFFFFC000  }
0x52: {  	[spmem:s2] =	stream.indirect.scatter.add.f32 [tilespmem:s13], [sflag:$0x1], $0x80, s20, s16, $0xb8;
	[tilespmem:$0x1D000] =	vst v63  }
0x53: {  	_ =	swait.ge [sflag:s14], $0x4000  }
0x54: {  	s3 =	sadd.s32 $0x1, s3;
	[sflag:s14] =	ssyncset.done $0x0  }
0x55: {  	p0 =	sne.s32 s3, s8;
	[sflag:s14] =	ssyncadd.s32 $0xFFFFC000  }
.Ltmp2:
0x56: {  	[bflag:$0x0] =	sbarrier.arrive $0xFFFF;
	(pc) =	sbr.rel @p0 .LBB2_1-.Ltmp2, $4  }
0x57: {  	[hbm:s17], [sflag:s18] =	dma.local [spmem:s19], $0x2800  }
0x58: {  	_ =	swait.ge [sflag:s14], $0x2800  }
0x59: {  	[sflag:s14] =	ssyncset.done $0x0  }
0x5a: {  	[sflag:s14] =	ssyncadd.s32 $0xFFFFD800  }
0x5b: {  	_ =	sfence.sel $0x180000  }
0x5c: {  	[bflag:$0x0] =	sbarrier.arrive $0xFFFF  }
0x5d: {  	p0 =	sne.s32 s0, $0x0;
	_ =	strace $0x9000004A  }
0x5e: {  	s0 =	sadd.s32 @!p0 $0x100000, s1;
	[bflag:$0x2] =	sbarrier.arrive $0xFFFF  }
0x5f: {  	[sflag:s0] =	ssyncadd.tile.s32 @!p0 $0x1;
	_ =	shalt  }
.Lfunc_end2:
_tile_overlayer_lowered:
.L_overlay_start_2:
0x60: {  	(tag) =	ssettag $0x2  }
0x61: {  	s0 =	rddreg [dreg:$0x0];
	s2 =	stileid.u32  }
0x62: {  	s1 =	rddreg [dreg:$0x1];
	p0 =	sne.s32 s2, $0x0  }
0x63: {  	s3 =	rddreg [dreg:$0x2];
	[bflag:$0x3] =	sbarrier.arrive $0xFFFF;
	s2 =	simm.s32 @!p0 $0x1C01  }
0x64: {  	[timem:s3], [sflag:s2] =	dma.local @!p0 [hbm:s0], s1  }
0x65: {  	s0 =	simm.s32 @!p0 $0x1  }
0x66: {  	_ =	swait.ge @!p0 [sflag:s0], s1  }
0x67: {  	s1 =	ssub.s32 @!p0 $0x0, s1;
	[sflag:s0] =	ssyncset.done @!p0 $0x0  }
0x68: {  	[sflag:s0] =	ssyncadd.s32 @!p0 s1  }
0x69: {  	[bflag:$0x3] =	sbarrier.arrive $0xFFFF  }
0x6a: {  	_ =	shalt  }

// kernel: kernel.15.cloned.1.call-start
scs
__scs_entry_jumppad:
0x0: {  	(pc) =	sbr.rel $0x88, $3  }
0x1: {  	(tag) =	ssettag $0x0;
	lr =	simm.s32 $0x1  }
0x2: {  	[smem:$0x3F9B] =	sst lr;
	_ =	strace $0xD0000000  }
0x3: {  	_ = 	snop  }
0x4: {  	_ = 	snop  }
0x5: {  	_ = 	snop  }
0x6: {  	_ = 	snop  }
0x7: {  	_ = 	snop  }
__scs_overlays_trampoline_lowered:
0x8: {  	[smem:$0x3FAA] =	sst s0  }
0x9: {  	[smem:$0x3FAB] =	sst s1  }
0xa: {  	[smem:$0x3FAC] =	sst s2  }
0xb: {  	[smem:$0x3FAD] =	sst s3  }
0xc: {  	[smem:$0x3FAE] =	sst s4  }
0xd: {  	[smem:$0x3FAF] =	sst s5  }
0xe: {  	[smem:$0x3FB0] =	sst s6  }
0xf: {  	[smem:$0x3FB1] =	sst s7  }
0x10: {  	[smem:$0x3FB2] =	sst s8  }
0x11: {  	[smem:$0x3FB3] =	sst s9;
	s0 =	simm.s32 @!p0 $0x0  }
0x12: {  	s1 =	sld [smem:$0x3F99];
	s0 =	simm.s32 @p0 $0x1  }
0x13: {  	[smem:$0x3FB4] =	sst s0;
	s0 =	simm.s32 @!p1 $0x0  }
0x14: {  	s2 =	sld [smem:$0x3F98];
	s0 =	simm.s32 @p1 $0x1  }
0x15: {  	[smem:$0x3FB5] =	sst s0;
	s0 =	simm.s32 @!p2 $0x0  }
0x16: {  	s3 =	sld [smem:$0x3FDB];
	s0 =	simm.s32 @p2 $0x1  }
0x17: {  	s4 =	simm.s32 $0x1BF5;
	[smem:$0x3FB7] =	sst s0  }
0x18: {  	s0 =	sld [smem:$0x3F9A];
	_ =	swait.ge [sflag:s4], $0x0  }
0x19: {  	s7 =	sld [smem:$0x3F9B]  }
0x1a: {  	s8 =	sadd.s32 $0xFFFFE003, lr  }
0x1b: {  	s9 =	sadd.s32 $0xFFFFFEF7, lr;
	s5 =	simm.s32 $0xFFFFFFFF;
	p2 =	slt.u32 s8, $0xFFFFF086  }
0x1c: {  	p1 =	slt.u32 s9, $0xF7A;
	s5 =	simm.s32 @!p2 $0x0  }
0x1d: {  	s5 =	simm.s32 @p1 $0x1;
	p0 =	seq.s32 s7, s2  }
0x1e: {  	s7 =	smul.u32 @!p0 $0xF7A, s2;
	p2 =	seq.s32 @!p0 s5, $0x0  }
0x1f: {  	s9 =	smul.u32 $0xF7A, s1;
	s8 =	simm.s32 @!p0 $0x1BF5;
	p2 =	por !p2, p0  }
0x20: {  	[sflag:s8] =	ssyncset.s32 @!p0 $0xFFFFF086;
	s6 =	sadd.s32 @!p0 s3, s7;
	s7 =	simm.s32 @!p0 $0x108  }
0x21: {  	s3 =	sadd.s32 s3, s9;
	s6 =	sadd.s32 @!p0 $0x88, s6;
	s7 =	simm.s32 @p2 $0x1082  }
0x22: {  	[simem:s7], [sflag:s8] =	dma.local @!p0 [hbm:s6], $0xF7A  }
0x23: {  	s9 =	sor.u32 $0xD0000000, s2;
	s6 =	simm.s32 $0x108;
	_ =	swait.ge @!p0 [sflag:s8], $0x0  }
0x24: {  	s3 =	sadd.s32 $0x88, s3;
	s6 =	simm.s32 @!p1 $0x1082;
	[sflag:s4] =	ssyncset.s32 $0xFFFFF086  }
0x25: {  	[simem:s6], [sflag:s4] =	dma.local [hbm:s3], $0xF7A  }
0x26: {  	[smem:$0x3F9B] =	sst s1;
	(tag) =	ssettag s2;
	_ =	strace s9  }
0x27: {  	s1 =	sld [smem:$0x3FAB]  }
0x28: {  	s2 =	sld [smem:$0x3FAC]  }
0x29: {  	s4 =	sld [smem:$0x3FAE]  }
0x2a: {  	p0 =	seq.s32 s5, $0x0;
	s5 =	sld [smem:$0x3FAF]  }
0x2b: {  	s6 =	sld [smem:$0x3FB0]  }
0x2c: {  	s7 =	sld [smem:$0x3FB1]  }
0x2d: {  	s3 =	simm.s32 $0x108;
	s8 =	sld [smem:$0x3FB2]  }
0x2e: {  	s3 =	simm.s32 @!p0 $0x1082;
	s9 =	sld [smem:$0x3FB3]  }
0x2f: {  	lr =	sadd.s32 s0, s3;
	s0 =	sld [smem:$0x3FAA]  }
0x30: {  	s3 =	sld [smem:$0x3FAD]  }
0x31: {  	[smem:$0x3FB6] =	sst s10  }
0x32: {  	s10 =	sld [smem:$0x3FB4];
	_ =	sdelay $0x3  }
0x33: {  	p0 =	seq.s32 s10, $0x1;
	s10 =	sld [smem:$0x3FB6];
	_ =	sdelay $0x3  }
0x34: {  	[smem:$0x3FB6] =	sst s10  }
0x35: {  	s10 =	sld [smem:$0x3FB5];
	_ =	sdelay $0x3  }
0x36: {  	p1 =	seq.s32 s10, $0x1;
	s10 =	sld [smem:$0x3FB6];
	_ =	sdelay $0x3  }
0x37: {  	[smem:$0x3FB6] =	sst s10  }
0x38: {  	s10 =	sld [smem:$0x3FB7]  }
0x39: {  	_ = 	snop;
	(pc) =	sbr.ind lr, $3  }
0x3a: {  	_ = 	snop  }
0x3b: {  	_ = 	snop  }
0x3c: {  	p2 =	seq.s32 s10, $0x1;
	s10 =	sld [smem:$0x3FB6]  }
0x3d: {  	_ =	shalt  }
0x3e: {  	_ =	shalt  }
0x3f: {  	_ =	shalt  }
0x40: {  	_ =	shalt  }
0x41: {  	_ =	shalt  }
0x42: {  	_ =	shalt  }
0x43: {  	_ =	shalt  }
0x44: {  	_ =	shalt  }
0x45: {  	_ =	shalt  }
0x46: {  	_ =	shalt  }
0x47: {  	_ =	shalt  }
0x48: {  	_ =	shalt  }
0x49: {  	_ =	shalt  }
0x4a: {  	_ =	shalt  }
0x4b: {  	_ =	shalt  }
0x4c: {  	_ =	shalt  }
0x4d: {  	_ =	shalt  }
0x4e: {  	_ =	shalt  }
0x4f: {  	_ =	shalt  }
0x50: {  	_ =	shalt  }
0x51: {  	_ =	shalt  }
0x52: {  	_ =	shalt  }
0x53: {  	_ =	shalt  }
0x54: {  	_ =	shalt  }
0x55: {  	_ =	shalt  }
0x56: {  	_ =	shalt  }
0x57: {  	_ =	shalt  }
0x58: {  	_ =	shalt  }
0x59: {  	_ =	shalt  }
0x5a: {  	_ =	shalt  }
0x5b: {  	_ =	shalt  }
0x5c: {  	_ =	shalt  }
0x5d: {  	_ =	shalt  }
0x5e: {  	_ =	shalt  }
0x5f: {  	_ =	shalt  }
0x60: {  	_ =	shalt  }
0x61: {  	_ =	shalt  }
0x62: {  	_ =	shalt  }
0x63: {  	_ =	shalt  }
0x64: {  	_ =	shalt  }
0x65: {  	_ =	shalt  }
0x66: {  	_ =	shalt  }
0x67: {  	_ =	shalt  }
0x68: {  	_ =	shalt  }
0x69: {  	_ =	shalt  }
0x6a: {  	_ =	shalt  }
0x6b: {  	_ =	shalt  }
0x6c: {  	_ =	shalt  }
0x6d: {  	_ =	shalt  }
0x6e: {  	_ =	shalt  }
0x6f: {  	_ =	shalt  }
0x70: {  	_ =	shalt  }
0x71: {  	_ =	shalt  }
0x72: {  	_ =	shalt  }
0x73: {  	_ =	shalt  }
0x74: {  	_ =	shalt  }
0x75: {  	_ =	shalt  }
0x76: {  	_ =	shalt  }
0x77: {  	_ =	shalt  }
0x78: {  	_ =	shalt  }
0x79: {  	_ =	shalt  }
0x7a: {  	_ =	shalt  }
0x7b: {  	_ =	shalt  }
0x7c: {  	_ =	shalt  }
0x7d: {  	_ =	shalt  }
0x7e: {  	_ =	shalt  }
0x7f: {  	_ =	shalt  }
0x80: {  	_ =	shalt  }
0x81: {  	_ =	shalt  }
0x82: {  	_ =	shalt  }
0x83: {  	_ =	shalt  }
0x84: {  	_ =	shalt  }
0x85: {  	_ =	shalt  }
0x86: {  	_ =	shalt  }
0x87: {  	_ =	shalt  }
.Lfunc_end0:
.L_simem_size_0:
called_computation.2_lowered:
.L_overlay_start_0:
0x88: {  	s2 =	sld [smem:$0x3FD9]  }
0x89: {  	s3 =	sld [smem:$0x3FFE];
	_ =	sdelay $0x1  }
0x8a: {  	s1 =	srdreg.scid  }
0x8b: {  	s0 =	sand.u32 $0x1, s1  }
0x8c: {  	s16 =	sshll.u32 s0, $0xA;
	s2 =	sadd.s32 s3, s2  }
0x8d: {  	s2 =	sadd.s32 s2, s16  }
0x8e: {  	[smem:$0x3FC2] =	sst s2  }
0x8f: {  	_ = 	snop  }
0x90: {  	(tm) =	ssettm $0x1  }
0x91: {  	s17 =	sld [smem:$0x3FFB];
	_ =	sdelay $0x3  }
0x92: {  	_ =	strace s17  }
0x93: {  	s2 =	sld [smem:$0x3FFC];
	_ =	sdelay $0x3  }
0x94: {  	_ =	strace s2  }
0x95: {  	s2 =	sld [smem:$0x3FFD];
	_ =	sdelay $0x3  }
0x96: {  	_ =	strace s2  }
0x97: {  	_ =	strace $0x8FFFFFFF  }
0x98: {  	s18 =	sld [smem:$0x3FDB];
	_ =	sdelay $0x1  }
0x99: {  	s19 =	simm.s32 $_scs_section_size  }
0x9a: {  	s4 =	simm.s32 $_size__tile_overlayer_lowered;
	s5 =	simm.s32 $_tile_overlayer_lowered  }
0x9b: {  	s22 =	simm.s32 $0x1BFF;
	s21 =	sshll.u32 s5, $0x1;
	s2 =	sadd.s32 s19, s18  }
0x9c: {  	s6 =	simm.s32 $0x0;
	s20 =	sshll.u32 s4, $0x1;
	s4 =	sadd.s32 s21, s2  }
0x9d: {  	[timem:s6], [sflag:s22] =	dma.local [hbm:s4], s20  }
0x9e: {  	_ =	swait.ge [sflag:s22], s20  }
0x9f: {  	s3 =	ssub.s32 $0x0, s20;
	[sflag:s22] =	ssyncset.done $0x0  }
0xa0: {  	[sflag:s22] =	ssyncadd.s32 s3;
	_ =	sdelay $0x1  }
0xa1: {  	s23 =	simm.s32 $0x1B8B  }
0xa2: {  	_ =	swait.ge [sflag:s23], $0x1  }
0xa3: {  	[sflag:s23] =	ssyncset.done $0x0  }
0xa4: {  	s25 =	simm.s32 $0x1B8E;
	s24 =	sld [smem:$0x3FFE];
	[sflag:s23] =	ssyncadd.s32 $0xFFFFFFFF  }
0xa5: {  	s26 =	simm.s32 $execute0_lowered;
	[smem:$0x3FD2] =	sst s25  }
0xa6: {  	s4 =	sshll.u32 s26, $0x1;
	_ =	strace $0x8000004C;
	[dreg:$0x1] =	wrdreg $0xFFFFFFFF  }
0xa7: {  	s28 =	simm.s32 $_size_execute0_lowered;
	s2 =	sadd.s32 s2, s4;
	[dreg:$0x0] =	wrdreg $0x0  }
0xa8: {  	s4 =	sshll.u32 s28, $0x1;
	[dreg:$0x2] =	wrdreg s2  }
0xa9: {  	[dreg:$0x3] =	wrdreg s4  }
0xaa: {  	[dreg:$0x4] =	wrdreg $0xC0  }
0xab: {  	_ =	task [dreg:s6], $0x5FFFF  }
0xac: {  	[dreg:$0x1] =	wrdreg $0xFFFFFFFF  }
0xad: {  	[dreg:$0x0] =	wrdreg $0x60  }
0xae: {  	[dreg:$0x2] =	wrdreg s24  }
0xaf: {  	[dreg:$0x3] =	wrdreg $0x90000  }
0xb0: {  	[dreg:$0x4] =	wrdreg $0x9  }
0xb1: {  	_ =	task.clear_ibuf [dreg:s6], $0x5FFFF;
	_ =	strace $0x9000004C  }
0xb2: {  	s29 =	simm.s32 $0x9;
	_ =	strace $0x8000004E  }
0xb3: {  	_ =	swait.ge [sflag:s29], $0x1  }
0xb4: {  	[sflag:s29] =	ssyncadd.s32 $0xFFFFFFFF  }
0xb5: {  	_ =	strace $0x9000004E  }
0xb6: {  	_ =	sfence  }
0xb7: {  	s30 =	sld [smem:$0x0];
	_ =	sdelay $0x2  }
0xb8: {  	s31 =	sshll.u32 s1, $0xD;
	s1 =	sshrl.u32 s1, $0x2  }
0xb9: {  	s3 =	sand.u32 $0x4000, s31;
	s1 =	sadd.s32 s1, s30  }
0xba: {  	s0 =	sor.u32 s3, s0;
	s1 =	sshll.u32 s1, $0x11  }
0xbb: {  	s0 =	sor.u32 s1, s0  }
0xbc: {  	s0 =	sadd.s32 $0x8F2B, s0  }
0xbd: {  	[sflag:s0] =	ssyncadd.remote.s32 $0x1  }
0xbe: {  	_ =	sfence.sel $0xFFFF  }
0xbf: {  	[dreg:$0x0] =	wrdreg $0xFFFFFFFF;
	(pc) =	sbr.abs _section_cstart, $3  }
0xc0: {  	[dreg:$0x1] =	wrdreg $0xFFFFFFFF  }
0xc1: {  	_ =	task.clear_ibuf [dreg:s6], $0x2FFFF;
	_ =	strace $0x9FFFFFFF  }
0xc2: {  	(tm) =	ssettm $0x7FFFFFFF  }
0xc3: {  	_ =	shalt  }
tec
execute0_lowered:
.L_overlay_start_1:
0x0: {  	(tag) =	ssettag $0x1  }
0x1: {  	s1 =	srdreg.scid  }
0x2: {  	s0 =	stileid.u32;
	s5 =	rddreg [dreg:$0x0]  }
0x3: {  	s2 =	rddreg [dreg:$0x1];
	s3 =	simm.s32 $0x0;
	s13 =	simm.s32 $0x5000  }
0x4: {  	s14 =	simm.s32 $0x1;
	s15 =	simm.s32 $0x2800;
	s16 =	simm.s32 $0x80  }
0x5: {  	s4 =	sand.u32 $0x1, s1;
	s1 =	rddreg [dreg:$0x2];
	s9 =	smul.u32 $0x50000, s0  }
0x6: {  	s29 =	sshll.u32 s0, $0x1;
	[smem:$0x7FF] =	sst s3;
	s18 =	smul.u32 $0x2800, s0  }
0x7: {  	s19 =	sshll.u32 s0, $0x6;
	s6 =	sor.u32 s4, s29;
	s7 =	smul.u32 $0x28000, s4  }
0x8: {  	_ =	strace $0x8000004D;
	s8 =	ssub.s32 $0x2, s4;
	s6 =	smul.u32 $0x500, s6  }
0x9: {  	s4 =	sadd.s32 $0x20A00, s5;
	s30 =	sshrl.u32 s8, $0x1;
	s31 =	sshrl.u32 s9, $0x2  }
0xa: {  	s11 =	sadd.s32 s7, s5;
	s8 =	ssub.s32 s8, s30;
	s10 =	sadd.s32 s6, s5  }
0xb: {  	s5 =	sadd.s32 s31, s2;
	s17 =	sadd.s32 $0x6EE00, s11;
	s8 =	smax.u32 s8, $0x1  }
0xc: {  	s6 =	sadd.s32 $0x16A00, s10;
	s7 =	sadd.s32 $0x2A00, s10;
	s9 =	sadd.s32 $0x4000, s5  }
0xd: {  	s10 =	sadd.s32 $0x8000, s5;
	s11 =	sadd.s32 $0xC000, s5;
	s12 =	sadd.s32 $0x10000, s5  }
0xe: {  	v0 =	vimm.f32 $0.0e+00;
	s17 =	sadd.s32 s18, s17;
	s18 =	sor.u32 $0x1C01, s19;
	s19 =	sshrl.u32 s5, $0x3  }
.LBB2_1:
0xf: {  	s20 =	simm.s32 $0x0;
	s21 =	simm.s32 $0x200  }
.LBB2_2:
0x10: {  	p0 =	sne.s32 s21, $0xFE00;
	[tilespmem:s20+$0x5070] =	vst v0  }
0x11: {  	[tilespmem:s20+$0x5000] =	vst v0  }
0x12: {  	[tilespmem:s20+$0x5010] =	vst v0  }
.Ltmp0:
0x13: {  	[tilespmem:s20+$0x5020] =	vst v0;
	(pc) =	sbr.rel @p0 .LBB2_2-.Ltmp0, $4  }
0x14: {  	[tilespmem:s20+$0x5030] =	vst v0  }
0x15: {  	[tilespmem:s20+$0x5040] =	vst v0  }
0x16: {  	[tilespmem:s20+$0x5050] =	vst v0  }
0x17: {  	[tilespmem:s20+$0x5060] =	vst v0;
	s20 =	sshra.s32 s21, $0x2;
	s21 =	sadd.s32 $0x200, s21  }
0x18: {  	[tilespmem:s20+$0x5070] =	vst v0  }
0x19: {  	[tilespmem:s20+$0x5000] =	vst v0  }
0x1a: {  	[tilespmem:s20+$0x5010] =	vst v0  }
0x1b: {  	[tilespmem:s20+$0x5020] =	vst v0  }
0x1c: {  	[tilespmem:s20+$0x5030] =	vst v0  }
0x1d: {  	[tilespmem:s20+$0x5040] =	vst v0  }
0x1e: {  	[tilespmem:s20+$0x5050] =	vst v0  }
0x1f: {  	[tilespmem:s20+$0x5060] =	vst v0  }
0x20: {  	[spmem:s5] =	stream.linear.scatter [tilespmem:s13], [sflag:$0x1], $0x4000, $0x38;
	[tilespmem:$0x1D000] =	vst v63  }
0x21: {  	_ =	swait.ge [sflag:s14], $0x4000  }
0x22: {  	[sflag:s14] =	ssyncset.done $0x0  }
0x23: {  	[sflag:s14] =	ssyncadd.s32 $0xFFFFC000  }
0x24: {  	[spmem:s9] =	stream.linear.scatter [tilespmem:s13], [sflag:$0x1], $0x4000, $0x38;
	[tilespmem:$0x1D000] =	vst v63  }
0x25: {  	_ =	swait.ge [sflag:s14], $0x4000  }
0x26: {  	[sflag:s14] =	ssyncset.done $0x0  }
0x27: {  	[sflag:s14] =	ssyncadd.s32 $0xFFFFC000  }
0x28: {  	[spmem:s10] =	stream.linear.scatter [tilespmem:s13], [sflag:$0x1], $0x4000, $0x38;
	[tilespmem:$0x1D000] =	vst v63  }
0x29: {  	_ =	swait.ge [sflag:s14], $0x4000  }
0x2a: {  	[sflag:s14] =	ssyncset.done $0x0  }
0x2b: {  	[sflag:s14] =	ssyncadd.s32 $0xFFFFC000  }
0x2c: {  	[spmem:s11] =	stream.linear.scatter [tilespmem:s13], [sflag:$0x1], $0x4000, $0x38;
	[tilespmem:$0x1D000] =	vst v63  }
0x2d: {  	_ =	swait.ge [sflag:s14], $0x4000  }
0x2e: {  	[sflag:s14] =	ssyncset.done $0x0  }
0x2f: {  	[sflag:s14] =	ssyncadd.s32 $0xFFFFC000  }
0x30: {  	[spmem:s12] =	stream.linear.scatter [tilespmem:s13], [sflag:$0x1], $0x4000, $0x38;
	[tilespmem:$0x1D000] =	vst v63  }
0x31: {  	_ =	swait.ge [sflag:s14], $0x4000  }
0x32: {  	[sflag:s14] =	ssyncset.done $0x0  }
0x33: {  	s29 =	simm.s32 $0x0;
	[sflag:s14] =	ssyncadd.s32 $0xFFFFC000  }
0x34: {  	[tilespmem:s29], [sflag:$0x1] =	stream.linear.gather [hbm4b:s6+s29], $0x2780, $0x38;
	[tilespmem:$0x1D000] =	vst v63  }
0x35: {  	_ =	swait.ge [sflag:s14], $0x2780  }
0x36: {  	[sflag:s14] =	ssyncset.done $0x0  }
0x37: {  	[sflag:s14] =	ssyncadd.s32 $0xFFFFD880  }
0x38: {  	[tilespmem:s15], [sflag:$0x1] =	stream.linear.gather [hbm4b:s7+s29], $0x2780, $0x38;
	[tilespmem:$0x1D000] =	vst v63  }
0x39: {  	_ =	swait.ge [sflag:s14], $0x2780  }
0x3a: {  	[sflag:s14] =	ssyncset.done $0x0  }
0x3b: {  	[sflag:s14] =	ssyncadd.s32 $0xFFFFD880  }
0x3c: {  	s30 =	simm.s32 $0x0;
	[bflag:$0x0] =	sbarrier.arrive $0xFFFF  }
0x3d: {  	[tilespmem:s13], [sflag:$0x1] =	stream.indirect.gather [hbm4b:s4+s16], $0x80, s30, s16, $0xb8;
	[tilespmem:$0x1D000] =	vst v63  }
0x3e: {  	_ =	swait.ge [sflag:s14], $0x4000  }
0x3f: {  	[sflag:s14] =	ssyncset.done $0x0  }
0x40: {  	s31 =	simm.s32 $0x2800;
	[sflag:s14] =	ssyncadd.s32 $0xFFFFC000  }
0x41: {  	[spmem:s2] =	stream.indirect.scatter.add.f32 [tilespmem:s13], [sflag:$0x1], $0x80, s31, s16, $0xb8;
	[tilespmem:$0x1D000] =	vst v63  }
0x42: {  	_ =	swait.ge [sflag:s14], $0x4000  }
0x43: {  	s20 =	simm.s32 $0x200;
	s21 =	simm.s32 $0x400;
	[sflag:s14] =	ssyncset.done $0x0  }
.LBB2_4:
0x44: {  	s22 =	sshra.s32 s20, $0x2  }
0x45: {  	[sflag:s14] =	ssyncadd.s32 $0xFFFFC000;
	s20 =	smov.u32 s21;
	s23 =	sadd.s32 $0x200, s21  }
0x46: {  	[tilespmem:s13], [sflag:$0x1] =	stream.indirect.gather [hbm4b:s4+s16], $0x80, s22, s16, $0xb8;
	[tilespmem:$0x1D000] =	vst v63  }
0x47: {  	p0 =	sne.s32 s21, $0x9C00;
	_ =	swait.ge [sflag:s14], $0x4000  }
.Ltmp1:
0x48: {  	[sflag:s14] =	ssyncset.done $0x0;
	(pc) =	sbr.rel @p0 .LBB2_4-.Ltmp1, $4  }
0x49: {  	s21 =	sadd.s32 $0x2800, s22;
	[sflag:s14] =	ssyncadd.s32 $0xFFFFC000  }
0x4a: {  	[spmem:s2] =	stream.indirect.scatter.add.f32 [tilespmem:s13], [sflag:$0x1], $0x80, s21, s16, $0xb8;
	[tilespmem:$0x1D000] =	vst v63  }
0x4b: {  	_ =	swait.ge [sflag:s14], $0x4000  }
0x4c: {  	s21 =	smov.u32 s23;
	[sflag:s14] =	ssyncset.done $0x0  }
0x4d: {  	s20 =	sshra.s32 s20, $0x2;
	[sflag:s14] =	ssyncadd.s32 $0xFFFFC000  }
0x4e: {  	[tilespmem:s13], [sflag:$0x1] =	stream.indirect.gather [hbm4b:s4+s16], $0x80, s20, s16, $0xb8;
	[tilespmem:$0x1D000] =	vst v63  }
0x4f: {  	_ =	swait.ge [sflag:s14], $0x4000  }
0x50: {  	[sflag:s14] =	ssyncset.done $0x0  }
0x51: {  	s20 =	sadd.s32 $0x2800, s20;
	[sflag:s14] =	ssyncadd.s32 $0xFFFFC000  }
0x52: {  	[spmem:s2] =	stream.indirect.scatter.add.f32 [tilespmem:s13], [sflag:$0x1], $0x80, s20, s16, $0xb8;
	[tilespmem:$0x1D000] =	vst v63  }
0x53: {  	_ =	swait.ge [sflag:s14], $0x4000  }
0x54: {  	s3 =	sadd.s32 $0x1, s3;
	[sflag:s14] =	ssyncset.done $0x0  }
0x55: {  	p0 =	sne.s32 s3, s8;
	[sflag:s14] =	ssyncadd.s32 $0xFFFFC000  }
.Ltmp2:
0x56: {  	[bflag:$0x0] =	sbarrier.arrive $0xFFFF;
	(pc) =	sbr.rel @p0 .LBB2_1-.Ltmp2, $4  }
0x57: {  	[hbm:s17], [sflag:s18] =	dma.local [spmem:s19], $0x2800  }
0x58: {  	_ =	swait.ge [sflag:s14], $0x2800  }
0x59: {  	[sflag:s14] =	ssyncset.done $0x0  }
0x5a: {  	[sflag:s14] =	ssyncadd.s32 $0xFFFFD800  }
0x5b: {  	_ =	sfence.sel $0x180000  }
0x5c: {  	[bflag:$0x0] =	sbarrier.arrive $0xFFFF  }
0x5d: {  	p0 =	sne.s32 s0, $0x0;
	_ =	strace $0x9000004D  }
0x5e: {  	s0 =	sadd.s32 @!p0 $0x100000, s1;
	[bflag:$0x2] =	sbarrier.arrive $0xFFFF  }
0x5f: {  	[sflag:s0] =	ssyncadd.tile.s32 @!p0 $0x1;
	_ =	shalt  }
.Lfunc_end2:
_tile_overlayer_lowered:
.L_overlay_start_2:
0x60: {  	(tag) =	ssettag $0x2  }
0x61: {  	s0 =	rddreg [dreg:$0x0];
	s2 =	stileid.u32  }
0x62: {  	s1 =	rddreg [dreg:$0x1];
	p0 =	sne.s32 s2, $0x0  }
0x63: {  	s3 =	rddreg [dreg:$0x2];
	[bflag:$0x3] =	sbarrier.arrive $0xFFFF;
	s2 =	simm.s32 @!p0 $0x1C01  }
0x64: {  	[timem:s3], [sflag:s2] =	dma.local @!p0 [hbm:s0], s1  }
0x65: {  	s0 =	simm.s32 @!p0 $0x1  }
0x66: {  	_ =	swait.ge @!p0 [sflag:s0], s1  }
0x67: {  	s1 =	ssub.s32 @!p0 $0x0, s1;
	[sflag:s0] =	ssyncset.done @!p0 $0x0  }
0x68: {  	[sflag:s0] =	ssyncadd.s32 @!p0 s1  }
0x69: {  	[bflag:$0x3] =	sbarrier.arrive $0xFFFF  }
0x6a: {  	_ =	shalt  }

// kernel: kernel.9.cloned.1.call-start
scs
__scs_entry_jumppad:
0x0: {  	(pc) =	sbr.rel $0x88, $3  }
0x1: {  	(tag) =	ssettag $0x0;
	lr =	simm.s32 $0x1  }
0x2: {  	[smem:$0x3F9B] =	sst lr;
	_ =	strace $0xD0000000  }
0x3: {  	_ = 	snop  }
0x4: {  	_ = 	snop  }
0x5: {  	_ = 	snop  }
0x6: {  	_ = 	snop  }
0x7: {  	_ = 	snop  }
__scs_overlays_trampoline_lowered:
0x8: {  	[smem:$0x3FAA] =	sst s0  }
0x9: {  	[smem:$0x3FAB] =	sst s1  }
0xa: {  	[smem:$0x3FAC] =	sst s2  }
0xb: {  	[smem:$0x3FAD] =	sst s3  }
0xc: {  	[smem:$0x3FAE] =	sst s4  }
0xd: {  	[smem:$0x3FAF] =	sst s5  }
0xe: {  	[smem:$0x3FB0] =	sst s6  }
0xf: {  	[smem:$0x3FB1] =	sst s7  }
0x10: {  	[smem:$0x3FB2] =	sst s8  }
0x11: {  	[smem:$0x3FB3] =	sst s9;
	s0 =	simm.s32 @!p0 $0x0  }
0x12: {  	s1 =	sld [smem:$0x3F99];
	s0 =	simm.s32 @p0 $0x1  }
0x13: {  	[smem:$0x3FB4] =	sst s0;
	s0 =	simm.s32 @!p1 $0x0  }
0x14: {  	s2 =	sld [smem:$0x3F98];
	s0 =	simm.s32 @p1 $0x1  }
0x15: {  	[smem:$0x3FB5] =	sst s0;
	s0 =	simm.s32 @!p2 $0x0  }
0x16: {  	s3 =	sld [smem:$0x3FDB];
	s0 =	simm.s32 @p2 $0x1  }
0x17: {  	s4 =	simm.s32 $0x1BF5;
	[smem:$0x3FB7] =	sst s0  }
0x18: {  	s0 =	sld [smem:$0x3F9A];
	_ =	swait.ge [sflag:s4], $0x0  }
0x19: {  	s7 =	sld [smem:$0x3F9B]  }
0x1a: {  	s8 =	sadd.s32 $0xFFFFE003, lr  }
0x1b: {  	s9 =	sadd.s32 $0xFFFFFEF7, lr;
	s5 =	simm.s32 $0xFFFFFFFF;
	p2 =	slt.u32 s8, $0xFFFFF086  }
0x1c: {  	p1 =	slt.u32 s9, $0xF7A;
	s5 =	simm.s32 @!p2 $0x0  }
0x1d: {  	s5 =	simm.s32 @p1 $0x1;
	p0 =	seq.s32 s7, s2  }
0x1e: {  	s7 =	smul.u32 @!p0 $0xF7A, s2;
	p2 =	seq.s32 @!p0 s5, $0x0  }
0x1f: {  	s9 =	smul.u32 $0xF7A, s1;
	s8 =	simm.s32 @!p0 $0x1BF5;
	p2 =	por !p2, p0  }
0x20: {  	[sflag:s8] =	ssyncset.s32 @!p0 $0xFFFFF086;
	s6 =	sadd.s32 @!p0 s3, s7;
	s7 =	simm.s32 @!p0 $0x108  }
0x21: {  	s3 =	sadd.s32 s3, s9;
	s6 =	sadd.s32 @!p0 $0x88, s6;
	s7 =	simm.s32 @p2 $0x1082  }
0x22: {  	[simem:s7], [sflag:s8] =	dma.local @!p0 [hbm:s6], $0xF7A  }
0x23: {  	s9 =	sor.u32 $0xD0000000, s2;
	s6 =	simm.s32 $0x108;
	_ =	swait.ge @!p0 [sflag:s8], $0x0  }
0x24: {  	s3 =	sadd.s32 $0x88, s3;
	s6 =	simm.s32 @!p1 $0x1082;
	[sflag:s4] =	ssyncset.s32 $0xFFFFF086  }
0x25: {  	[simem:s6], [sflag:s4] =	dma.local [hbm:s3], $0xF7A  }
0x26: {  	[smem:$0x3F9B] =	sst s1;
	(tag) =	ssettag s2;
	_ =	strace s9  }
0x27: {  	s1 =	sld [smem:$0x3FAB]  }
0x28: {  	s2 =	sld [smem:$0x3FAC]  }
0x29: {  	s4 =	sld [smem:$0x3FAE]  }
0x2a: {  	p0 =	seq.s32 s5, $0x0;
	s5 =	sld [smem:$0x3FAF]  }
0x2b: {  	s6 =	sld [smem:$0x3FB0]  }
0x2c: {  	s7 =	sld [smem:$0x3FB1]  }
0x2d: {  	s3 =	simm.s32 $0x108;
	s8 =	sld [smem:$0x3FB2]  }
0x2e: {  	s3 =	simm.s32 @!p0 $0x1082;
	s9 =	sld [smem:$0x3FB3]  }
0x2f: {  	lr =	sadd.s32 s0, s3;
	s0 =	sld [smem:$0x3FAA]  }
0x30: {  	s3 =	sld [smem:$0x3FAD]  }
0x31: {  	[smem:$0x3FB6] =	sst s10  }
0x32: {  	s10 =	sld [smem:$0x3FB4];
	_ =	sdelay $0x3  }
0x33: {  	p0 =	seq.s32 s10, $0x1;
	s10 =	sld [smem:$0x3FB6];
	_ =	sdelay $0x3  }
0x34: {  	[smem:$0x3FB6] =	sst s10  }
0x35: {  	s10 =	sld [smem:$0x3FB5];
	_ =	sdelay $0x3  }
0x36: {  	p1 =	seq.s32 s10, $0x1;
	s10 =	sld [smem:$0x3FB6];
	_ =	sdelay $0x3  }
0x37: {  	[smem:$0x3FB6] =	sst s10  }
0x38: {  	s10 =	sld [smem:$0x3FB7]  }
0x39: {  	_ = 	snop;
	(pc) =	sbr.ind lr, $3  }
0x3a: {  	_ = 	snop  }
0x3b: {  	_ = 	snop  }
0x3c: {  	p2 =	seq.s32 s10, $0x1;
	s10 =	sld [smem:$0x3FB6]  }
0x3d: {  	_ =	shalt  }
0x3e: {  	_ =	shalt  }
0x3f: {  	_ =	shalt  }
0x40: {  	_ =	shalt  }
0x41: {  	_ =	shalt  }
0x42: {  	_ =	shalt  }
0x43: {  	_ =	shalt  }
0x44: {  	_ =	shalt  }
0x45: {  	_ =	shalt  }
0x46: {  	_ =	shalt  }
0x47: {  	_ =	shalt  }
0x48: {  	_ =	shalt  }
0x49: {  	_ =	shalt  }
0x4a: {  	_ =	shalt  }
0x4b: {  	_ =	shalt  }
0x4c: {  	_ =	shalt  }
0x4d: {  	_ =	shalt  }
0x4e: {  	_ =	shalt  }
0x4f: {  	_ =	shalt  }
0x50: {  	_ =	shalt  }
0x51: {  	_ =	shalt  }
0x52: {  	_ =	shalt  }
0x53: {  	_ =	shalt  }
0x54: {  	_ =	shalt  }
0x55: {  	_ =	shalt  }
0x56: {  	_ =	shalt  }
0x57: {  	_ =	shalt  }
0x58: {  	_ =	shalt  }
0x59: {  	_ =	shalt  }
0x5a: {  	_ =	shalt  }
0x5b: {  	_ =	shalt  }
0x5c: {  	_ =	shalt  }
0x5d: {  	_ =	shalt  }
0x5e: {  	_ =	shalt  }
0x5f: {  	_ =	shalt  }
0x60: {  	_ =	shalt  }
0x61: {  	_ =	shalt  }
0x62: {  	_ =	shalt  }
0x63: {  	_ =	shalt  }
0x64: {  	_ =	shalt  }
0x65: {  	_ =	shalt  }
0x66: {  	_ =	shalt  }
0x67: {  	_ =	shalt  }
0x68: {  	_ =	shalt  }
0x69: {  	_ =	shalt  }
0x6a: {  	_ =	shalt  }
0x6b: {  	_ =	shalt  }
0x6c: {  	_ =	shalt  }
0x6d: {  	_ =	shalt  }
0x6e: {  	_ =	shalt  }
0x6f: {  	_ =	shalt  }
0x70: {  	_ =	shalt  }
0x71: {  	_ =	shalt  }
0x72: {  	_ =	shalt  }
0x73: {  	_ =	shalt  }
0x74: {  	_ =	shalt  }
0x75: {  	_ =	shalt  }
0x76: {  	_ =	shalt  }
0x77: {  	_ =	shalt  }
0x78: {  	_ =	shalt  }
0x79: {  	_ =	shalt  }
0x7a: {  	_ =	shalt  }
0x7b: {  	_ =	shalt  }
0x7c: {  	_ =	shalt  }
0x7d: {  	_ =	shalt  }
0x7e: {  	_ =	shalt  }
0x7f: {  	_ =	shalt  }
0x80: {  	_ =	shalt  }
0x81: {  	_ =	shalt  }
0x82: {  	_ =	shalt  }
0x83: {  	_ =	shalt  }
0x84: {  	_ =	shalt  }
0x85: {  	_ =	shalt  }
0x86: {  	_ =	shalt  }
0x87: {  	_ =	shalt  }
.Lfunc_end0:
.L_simem_size_0:
called_computation_lowered:
.L_overlay_start_0:
0x88: {  	s2 =	sld [smem:$0x3FD9]  }
0x89: {  	s3 =	sld [smem:$0x3FFE];
	_ =	sdelay $0x1  }
0x8a: {  	s1 =	srdreg.scid  }
0x8b: {  	s0 =	sand.u32 $0x1, s1  }
0x8c: {  	s16 =	sshll.u32 s0, $0xA;
	s2 =	sadd.s32 s3, s2  }
0x8d: {  	s2 =	sadd.s32 s2, s16  }
0x8e: {  	[smem:$0x3FC2] =	sst s2  }
0x8f: {  	_ = 	snop  }
0x90: {  	(tm) =	ssettm $0x1  }
0x91: {  	s17 =	sld [smem:$0x3FFB];
	_ =	sdelay $0x3  }
0x92: {  	_ =	strace s17  }
0x93: {  	s2 =	sld [smem:$0x3FFC];
	_ =	sdelay $0x3  }
0x94: {  	_ =	strace s2  }
0x95: {  	s2 =	sld [smem:$0x3FFD];
	_ =	sdelay $0x3  }
0x96: {  	_ =	strace s2  }
0x97: {  	_ =	strace $0x8FFFFFFF  }
0x98: {  	s18 =	sld [smem:$0x3FDB];
	_ =	sdelay $0x1  }
0x99: {  	s19 =	simm.s32 $_scs_section_size  }
0x9a: {  	s4 =	simm.s32 $_size__tile_overlayer_lowered;
	s5 =	simm.s32 $_tile_overlayer_lowered  }
0x9b: {  	s22 =	simm.s32 $0x1BFF;
	s21 =	sshll.u32 s5, $0x1;
	s2 =	sadd.s32 s19, s18  }
0x9c: {  	s6 =	simm.s32 $0x0;
	s20 =	sshll.u32 s4, $0x1;
	s4 =	sadd.s32 s21, s2  }
0x9d: {  	[timem:s6], [sflag:s22] =	dma.local [hbm:s4], s20  }
0x9e: {  	_ =	swait.ge [sflag:s22], s20  }
0x9f: {  	s3 =	ssub.s32 $0x0, s20;
	[sflag:s22] =	ssyncset.done $0x0  }
0xa0: {  	[sflag:s22] =	ssyncadd.s32 s3;
	_ =	sdelay $0x1  }
0xa1: {  	s23 =	simm.s32 $0x1B8B  }
0xa2: {  	_ =	swait.ge [sflag:s23], $0x1  }
0xa3: {  	[sflag:s23] =	ssyncset.done $0x0  }
0xa4: {  	s25 =	simm.s32 $0x1B8E;
	s24 =	sld [smem:$0x3FFE];
	[sflag:s23] =	ssyncadd.s32 $0xFFFFFFFF  }
0xa5: {  	s26 =	simm.s32 $execute0_lowered;
	[smem:$0x3FD2] =	sst s25  }
0xa6: {  	s4 =	sshll.u32 s26, $0x1;
	_ =	strace $0x80000046;
	[dreg:$0x1] =	wrdreg $0xFFFFFFFF  }
0xa7: {  	s28 =	simm.s32 $_size_execute0_lowered;
	s2 =	sadd.s32 s2, s4;
	[dreg:$0x0] =	wrdreg $0x0  }
0xa8: {  	s4 =	sshll.u32 s28, $0x1;
	[dreg:$0x2] =	wrdreg s2  }
0xa9: {  	[dreg:$0x3] =	wrdreg s4  }
0xaa: {  	[dreg:$0x4] =	wrdreg $0xC0  }
0xab: {  	_ =	task [dreg:s6], $0x5FFFF  }
0xac: {  	[dreg:$0x1] =	wrdreg $0xFFFFFFFF  }
0xad: {  	[dreg:$0x0] =	wrdreg $0x60  }
0xae: {  	[dreg:$0x2] =	wrdreg s24  }
0xaf: {  	[dreg:$0x3] =	wrdreg $0x9  }
0xb0: {  	_ =	task.clear_ibuf [dreg:s6], $0x4FFFF;
	_ =	strace $0x90000046  }
0xb1: {  	s29 =	simm.s32 $0x9;
	_ =	strace $0x80000048  }
0xb2: {  	_ =	swait.ge [sflag:s29], $0x1  }
0xb3: {  	[sflag:s29] =	ssyncadd.s32 $0xFFFFFFFF  }
0xb4: {  	_ =	strace $0x90000048  }
0xb5: {  	_ =	sfence  }
0xb6: {  	s30 =	sld [smem:$0x0];
	_ =	sdelay $0x2  }
0xb7: {  	s31 =	sshll.u32 s1, $0xD;
	s1 =	sshrl.u32 s1, $0x2  }
0xb8: {  	s3 =	sand.u32 $0x4000, s31;
	s1 =	sadd.s32 s1, s30  }
0xb9: {  	s0 =	sor.u32 s3, s0;
	s1 =	sshll.u32 s1, $0x11  }
0xba: {  	s0 =	sor.u32 s1, s0  }
0xbb: {  	s0 =	sadd.s32 $0x8F2B, s0  }
0xbc: {  	[sflag:s0] =	ssyncadd.remote.s32 $0x1  }
0xbd: {  	_ =	sfence.sel $0xFFFF  }
0xbe: {  	[dreg:$0x0] =	wrdreg $0xFFFFFFFF;
	(pc) =	sbr.abs _section_cstart, $3  }
0xbf: {  	[dreg:$0x1] =	wrdreg $0xFFFFFFFF  }
0xc0: {  	_ =	task.clear_ibuf [dreg:s6], $0x2FFFF;
	_ =	strace $0x9FFFFFFF  }
0xc1: {  	(tm) =	ssettm $0x7FFFFFFF  }
tec
execute0_lowered:
.L_overlay_start_1:
0x0: {  	(tag) =	ssettag $0x1  }
0x1: {  	s1 =	srdreg.scid  }
0x2: {  	s0 =	stileid.u32;
	s5 =	rddreg [dreg:$0x0]  }
0x3: {  	s2 =	simm.s32 $0x0;
	s8 =	simm.s32 $0x80;
	s9 =	simm.s32 $0x400  }
0x4: {  	s10 =	simm.s32 $0x0;
	s3 =	sand.u32 $0x1, s1;
	s29 =	sshll.u32 s0, $0x1  }
0x5: {  	s30 =	sshrl.u32 s0, $0x2;
	s1 =	rddreg [dreg:$0x1];
	s4 =	sor.u32 s3, s29  }
0x6: {  	[smem:$0x7FF] =	sst s2;
	s6 =	smul.u32 $0x14000, s30;
	s7 =	sshll.u32 s4, $0x7  }
0x7: {  	s3 =	ssub.s32 $0x2, s3;
	s4 =	smul.u32 $0x500, s4;
	s7 =	sand.u32 $0x380, s7  }
0x8: {  	_ =	strace $0x80000047;
	s31 =	sshrl.u32 s3, $0x1;
	s6 =	sor.u32 s6, s7  }
0x9: {  	s4 =	sadd.s32 s4, s5;
	s7 =	simm.s32 $0x2800;
	s6 =	sshrl.u32 s6, $0x3  }
0xa: {  	s5 =	sadd.s32 s6, s5;
	s6 =	ssub.s32 s3, s31;
	s3 =	sadd.s32 $0x2A00, s4  }
0xb: {  	v0 =	vimm.f32 $0.0e+00;
	v1 =	vimm.f32 $1.000000000e+00;
	s4 =	sadd.s32 $0xCA00, s5;
	s5 =	smax.u32 s6, $0x1;
	s6 =	simm.s32 $0x1  }
.LBB2_1:
0xc: {  	s11 =	simm.s32 $0x40;
	s12 =	simm.s32 $0x0  }
.LBB2_2:
0xd: {  	p0 =	sne.s32 s11, $0x9FC0;
	[tilespmem:s12+$0x2800] =	vst v0;
	s12 =	smov.u32 s11;
	s11 =	sadd.s32 $0x40, s11  }
.Ltmp0:
0xe: {  	(pc) =	sbr.rel @p0 .LBB2_2-.Ltmp0, $2  }
0xf: {  	_ =	sdelay $0x2  }
0x10: {  	s12 =	sshra.s32 s12, $0x2  }
0x11: {  	[tilespmem:s12+$0x2800] =	vst v0  }
0x12: {  	[tilespmem:s2], [sflag:$0x1] =	stream.linear.gather [hbm4b:s3+s2], $0x2780, $0x38;
	[tilespmem:$0x5000] =	vst v63  }
0x13: {  	_ =	swait.ge [sflag:s6], $0x2780  }
0x14: {  	[sflag:s6] =	ssyncset.done $0x0  }
0x15: {  	s11 =	simm.s32 $0x1C0;
	[sflag:s6] =	ssyncadd.s32 $0xFFFFD880  }
.LBB2_4:
0x16: {  	s12 =	sshra.s32 s11, $0x2  }
0x17: {  	v2 =	vld [tilespmem:s12+$0xFFFFFF90];
	_ =	sdelay $0x7  }
0x18: {  	[tilespmem:v2+s7+$0x0] =	vst.idx.add.f32.msk $0xffff, v1  }
0x19: {  	v2 =	vld [tilespmem:s12+$0xFFFFFFA0];
	_ =	sdelay $0x7  }
0x1a: {  	[tilespmem:v2+s7+$0x0] =	vst.idx.add.f32.msk $0xffff, v1  }
0x1b: {  	v2 =	vld [tilespmem:s12+$0xFFFFFFB0];
	_ =	sdelay $0x7  }
0x1c: {  	[tilespmem:v2+s7+$0x0] =	vst.idx.add.f32.msk $0xffff, v1  }
0x1d: {  	v2 =	vld [tilespmem:s12+$0xFFFFFFC0];
	_ =	sdelay $0x7  }
0x1e: {  	[tilespmem:v2+s7+$0x0] =	vst.idx.add.f32.msk $0xffff, v1  }
0x1f: {  	v2 =	vld [tilespmem:s12+$0xFFFFFFD0];
	_ =	sdelay $0x7  }
0x20: {  	[tilespmem:v2+s7+$0x0] =	vst.idx.add.f32.msk $0xffff, v1  }
0x21: {  	v2 =	vld [tilespmem:s12+$0xFFFFFFE0];
	_ =	sdelay $0x7  }
0x22: {  	[tilespmem:v2+s7+$0x0] =	vst.idx.add.f32.msk $0xffff, v1  }
0x23: {  	v2 =	vld [tilespmem:s12+$0xFFFFFFF0];
	_ =	sdelay $0x7  }
0x24: {  	[tilespmem:v2+s7+$0x0] =	vst.idx.add.f32.msk $0xffff, v1  }
0x25: {  	v2 =	vld [tilespmem:s12+$0x0];
	_ =	sdelay $0x2  }
0x26: {  	p0 =	sne.s32 s11, $0x9DC0  }
.Ltmp1:
0x27: {  	_ = 	snop;
	(pc) =	sbr.rel @p0 .LBB2_4-.Ltmp1, $2  }
0x28: {  	_ =	sdelay $0x2  }
0x29: {  	s11 =	sadd.s32 $0x200, s11;
	[tilespmem:v2+s7+$0x0] =	vst.idx.add.f32.msk $0xffff, v1  }
0x2a: {  	s10 =	sadd.s32 $0x1, s10  }
0x2b: {  	p0 =	sne.s32 s10, s5  }
.Ltmp2:
0x2c: {  	_ = 	snop;
	(pc) =	sbr.rel @p0 .LBB2_1-.Ltmp2, $4  }
0x2d: {  	[hbm4b:s4+s8] =	stream.strided.scatter [tilespmem:s7], [sflag:$0x1], $0x2800, s9, s8, $0x38;
	[tilespmem:$0x5000] =	vst v63  }
0x2e: {  	_ =	swait.ge [sflag:s6], $0x2800  }
0x2f: {  	[sflag:s6] =	ssyncset.done $0x0  }
0x30: {  	[sflag:s6] =	ssyncadd.s32 $0xFFFFD800  }
0x31: {  	_ =	sfence.sel $0x180000  }
0x32: {  	[bflag:$0x0] =	sbarrier.arrive $0xFFFF  }
0x33: {  	p0 =	sne.s32 s0, $0x0;
	_ =	strace $0x90000047  }
0x34: {  	s0 =	sadd.s32 @!p0 $0x100000, s1;
	[bflag:$0x2] =	sbarrier.arrive $0xFFFF  }
0x35: {  	[sflag:s0] =	ssyncadd.tile.s32 @!p0 $0x1;
	_ =	shalt  }
.Lfunc_end2:
_tile_overlayer_lowered:
.L_overlay_start_2:
0x36: {  	(tag) =	ssettag $0x2  }
0x37: {  	s0 =	rddreg [dreg:$0x0];
	s2 =	stileid.u32  }
0x38: {  	s1 =	rddreg [dreg:$0x1];
	p0 =	sne.s32 s2, $0x0  }
0x39: {  	s3 =	rddreg [dreg:$0x2];
	[bflag:$0x3] =	sbarrier.arrive $0xFFFF;
	s2 =	simm.s32 @!p0 $0x1C01  }
0x3a: {  	[timem:s3], [sflag:s2] =	dma.local @!p0 [hbm:s0], s1  }
0x3b: {  	s0 =	simm.s32 @!p0 $0x1  }
0x3c: {  	_ =	swait.ge @!p0 [sflag:s0], s1  }
0x3d: {  	s1 =	ssub.s32 @!p0 $0x0, s1;
	[sflag:s0] =	ssyncset.done @!p0 $0x0  }
0x3e: {  	[sflag:s0] =	ssyncadd.s32 @!p0 s1  }
0x3f: {  	[bflag:$0x3] =	sbarrier.arrive $0xFFFF  }
0x40: {  	_ =	shalt  }

</sc_bundles>
